<compile_context>
chip_gen: v7x
topology: tpu7x:2x2x1
jax: 0.10.2.dev20260603
libtpu: 0.0.44.dev20260713+nightly
codegen_flags: <defaults>
</compile_context>

<pallas_src>
import functools

import jax
import jax.numpy as jnp
from jax import lax
from jax.experimental import pallas as pl
from jax.experimental.pallas import tpu as pltpu
from jax.experimental.pallas import tpu_sc as plsc

N = 10000
E = 320000
F = 128
L = 3
NC = 2
NS = 16
NW = NC * NS
LANES = 16
CPT = F // NW
CPK = CPT // 2
CH_M = 1280
NCH_M = E // CH_M
GR_M = CH_M // LANES
CH_H = 1280
NCH_H = E // CH_H
GR_H = CH_H // LANES
UNROLL = 10


def _unpack_pair(gi):
    gbf = plsc.bitcast(gi, jnp.bfloat16)
    return plsc.unpack(gbf, format=plsc.PackFormat.INTERLEAVED)


def _msgpass_body(hw_ref, ew_ref, idx_ref, out_ref,
                  table, agg, idx_buf, ew_buf, sem):
    c = lax.axis_index("core")
    s = lax.axis_index("sub")
    w = c * NS + s
    col = w * CPT
    half = w % 2
    grp = w // 2

    pltpu.sync_copy(hw_ref.at[pl.ds(col * N, CPT * N)], table)

    zeros = jnp.zeros((LANES,), jnp.float32)
    @plsc.parallel_loop(0, CPT * N // LANES)
    def _zero(i):
        agg[pl.ds(i * LANES, LANES)] = zeros

    def _start(k, slot):
        pltpu.async_copy(idx_ref.at[pl.ds(k * CH_M, CH_M)], idx_buf.at[slot],
                         sem.at[slot])
        pltpu.async_copy(ew_ref.at[k, grp], ew_buf.at[slot], sem.at[slot])

    def _wait(slot):
        pltpu.make_async_copy(idx_ref.at[pl.ds(0, CH_M)], idx_buf.at[slot],
                              sem.at[slot]).wait()
        pltpu.make_async_copy(ew_ref.at[0, 0], ew_buf.at[slot],
                              sem.at[slot]).wait()

    def _compute(slot):
        @plsc.parallel_loop(0, GR_M, unroll=16)
        def _group(g):
            p = idx_buf[slot, pl.ds(g * LANES, LANES)]
            si = p & jnp.int32(16383)
            di = p >> 14
            for cc in range(CPT):
                gath = plsc.load_gather(table, [si + jnp.int32(cc * N)])
                ew = ew_buf[slot, half * CPT + cc, pl.ds(g * LANES, LANES)]
                m = jnp.maximum(gath + ew, 0.0)
                plsc.addupdate_scatter(agg, [di + jnp.int32(cc * N)], m)

    _start(0, 0)
    def _pair(kk, carry):
        k0 = kk * 2
        _start(k0 + 1, 1)
        _wait(0)
        _compute(0)
        @pl.when(k0 + 2 < NCH_M)
        def _():
            _start(k0 + 2, 0)
        _wait(1)
        _compute(1)
        return carry
    lax.fori_loop(0, NCH_M // 2, _pair, 0)

    pltpu.sync_copy(agg, out_ref.at[pl.ds(col * N, CPT * N)])


@jax.jit
def _msgpass(hwp_flat, ew4, pidx):
    mesh = plsc.VectorSubcoreMesh(core_axis_name="core", subcore_axis_name="sub")
    return pl.kernel(
        _msgpass_body,
        out_type=jax.ShapeDtypeStruct((F * N,), jnp.float32),
        mesh=mesh,
        compiler_params=pltpu.CompilerParams(needs_layout_passes=False),
        scratch_types=[
            pltpu.VMEM((CPT * N,), jnp.float32),
            pltpu.VMEM((CPT * N,), jnp.float32),
            pltpu.VMEM((2, CH_M), jnp.int32),
            pltpu.VMEM((2, 8, CH_M), jnp.float32),
            pltpu.SemaphoreType.DMA((2,)),
        ],
    )(hwp_flat, ew4, pidx)


def _edgehead_body(as_ref, bd_ref, c_ref, idx_ref, w2_ref, out_ref,
                   tab_a, tab_b, idx_buf, c_buf, w2_buf, part_buf,
                   sem, sem_o):
    c = lax.axis_index("core")
    s = lax.axis_index("sub")
    w = c * NS + s
    half = w % 2
    grp = w // 2

    col = w * CPT
    pltpu.sync_copy(as_ref.at[pl.ds(col * N, CPT * N)], tab_a)
    pltpu.sync_copy(bd_ref.at[pl.ds(col * N, CPT * N)], tab_b)
    pltpu.sync_copy(w2_ref.at[w], w2_buf)
    w2v = [w2_buf[cc] for cc in range(CPT)]

    def _start(k, slot):
        pltpu.async_copy(idx_ref.at[pl.ds(k * CH_H, CH_H)], idx_buf.at[slot],
                         sem.at[slot])
        pltpu.async_copy(c_ref.at[k, grp], c_buf.at[slot], sem.at[slot])

    def _wait(slot):
        pltpu.make_async_copy(idx_ref.at[pl.ds(0, CH_H)], idx_buf.at[slot],
                              sem.at[slot]).wait()
        pltpu.make_async_copy(c_ref.at[0, 0], c_buf.at[slot],
                              sem.at[slot]).wait()

    def _wait_out(slot):
        pltpu.make_async_copy(part_buf.at[slot],
                              out_ref.at[pl.ds(0, CH_H)],
                              sem_o.at[slot]).wait()

    def _compute(slot):
        @plsc.parallel_loop(0, GR_H, unroll=16)
        def _group(g):
            p = idx_buf[slot, pl.ds(g * LANES, LANES)]
            si = p & jnp.int32(16383)
            di = p >> 14
            acc = jnp.zeros((LANES,), jnp.float32)
            for cc in range(CPT):
                av = plsc.load_gather(tab_a, [si + jnp.int32(cc * N)])
                bv = plsc.load_gather(tab_b, [di + jnp.int32(cc * N)])
                cv = c_buf[slot, half * CPT + cc, pl.ds(g * LANES, LANES)]
                m = jnp.maximum(av + bv + cv, 0.0)
                acc = acc + m * w2v[cc]
            part_buf[slot, pl.ds(g * LANES, LANES)] = acc

    def _flush(k, slot):
        pltpu.async_copy(part_buf.at[slot],
                         out_ref.at[pl.ds(w * E + k * CH_H, CH_H)],
                         sem_o.at[slot])

    _start(0, 0)
    def _pair(kk, carry):
        k0 = kk * 2
        _start(k0 + 1, 1)
        _wait(0)
        @pl.when(kk > 0)
        def _():
            _wait_out(0)
        _compute(0)
        _flush(k0, 0)
        @pl.when(k0 + 2 < NCH_H)
        def _():
            _start(k0 + 2, 0)
        _wait(1)
        @pl.when(kk > 0)
        def _():
            _wait_out(1)
        _compute(1)
        _flush(k0 + 1, 1)
        return carry
    lax.fori_loop(0, NCH_H // 2, _pair, 0)
    _wait_out(0)
    _wait_out(1)


@jax.jit
def _edgehead(as_pk, bd_pk, c4, pidx, w2g):
    mesh = plsc.VectorSubcoreMesh(core_axis_name="core", subcore_axis_name="sub")
    return pl.kernel(
        _edgehead_body,
        out_type=jax.ShapeDtypeStruct((NW * E,), jnp.float32),
        mesh=mesh,
        compiler_params=pltpu.CompilerParams(needs_layout_passes=False),
        scratch_types=[
            pltpu.VMEM((CPT * N,), jnp.float32),
            pltpu.VMEM((CPT * N,), jnp.float32),
            pltpu.VMEM((2, CH_H), jnp.int32),
            pltpu.VMEM((2, 8, CH_H), jnp.float32),
            pltpu.VMEM((CPT, LANES), jnp.float32),
            pltpu.VMEM((2, CH_H), jnp.float32),
            pltpu.SemaphoreType.DMA((2,)),
            pltpu.SemaphoreType.DMA((2,)),
        ],
    )(as_pk, bd_pk, c4, pidx, w2g)


def _groupproj_kernel(w_ref, ea_ref, b_ref, o_ref):
    prod = lax.dot_general(w_ref[...], ea_ref[...], (((0,), (0,)), ((), ())),
                           preferred_element_type=jnp.float32,
                           precision=lax.Precision.HIGHEST)
    prod = prod + b_ref[...]
    for j in range(F // 8):
        o_ref[0, j] = prod[j * 8:(j + 1) * 8, :]


@functools.partial(jax.jit, static_argnums=3)
def _groupproj(w, ea_t, b, chunk):
    nchunk = E // chunk
    return pl.pallas_call(
        _groupproj_kernel,
        grid=(nchunk,),
        in_specs=[
            pl.BlockSpec((w.shape[0], F), lambda k: (0, 0)),
            pl.BlockSpec((ea_t.shape[0], chunk), lambda k: (0, k)),
            pl.BlockSpec((F, 1), lambda k: (0, 0)),
        ],
        out_specs=pl.BlockSpec((1, F // 8, 8, chunk), lambda k: (k, 0, 0, 0)),
        out_shape=jax.ShapeDtypeStruct((nchunk, F // 8, 8, chunk), jnp.float32),
    )(w, ea_t, b)


def _pack_table(hw):
    hw_bf = hw.astype(jnp.bfloat16)
    pk = jax.lax.bitcast_convert_type(hw_bf.reshape(N, F // 2, 2), jnp.int32)
    return pk.T.reshape(-1)


def _ln(x, g, b):
    m = jnp.mean(x, axis=-1, keepdims=True)
    v = jnp.var(x, axis=-1, keepdims=True)
    return (x - m) / jnp.sqrt(v + 1e-5) * g + b


def _lstm(xseq, lstm_params):
    h_seq = xseq
    hT = None
    for lp in lstm_params:
        Wih, Whh, b = lp['Wih'], lp['Whh'], lp['b']
        B = h_seq.shape[0]
        Hh = Whh.shape[1]
        def step(carry, xt):
            h, cst = carry
            gates = xt @ Wih.T + h @ Whh.T + b
            i, f, g, o = jnp.split(gates, 4, axis=-1)
            i = jax.nn.sigmoid(i)
            f = jax.nn.sigmoid(f)
            g = jnp.tanh(g)
            o = jax.nn.sigmoid(o)
            cst = f * cst + i * g
            h = o * jnp.tanh(cst)
            return (h, cst), h
        init = (jnp.zeros((B, Hh), jnp.float32), jnp.zeros((B, Hh), jnp.float32))
        (hT, _), ys = lax.scan(step, init, jnp.swapaxes(h_seq, 0, 1))
        h_seq = jnp.swapaxes(ys, 0, 1)
    return hT


def kernel(flow_fingerprint, x, edge_attr, edge_index, batch, params):
    p = params
    h_flow = _lstm(flow_fingerprint, p['lstm'])
    film = jax.nn.relu(h_flow @ p['film_W1'] + p['film_b1']) @ p['film_W2'] + p['film_b2']
    film = film.reshape(-1, L, 2, F)
    gamma = 1.0 + film[0, :, 0, :]
    beta = film[0, :, 1, :]
    src = edge_index[0]
    dst = edge_index[1]
    pidx = src | (dst << 14)
    ea_t = edge_attr.T

    W1 = p['head_W1']
    def _to_group_layout(ew_t, chunk):
        return ew_t.reshape(F // 8, 8, E // chunk, chunk).transpose(2, 0, 1, 3)

    ew4s = [_to_group_layout(p['convs'][l]['Wedge'].T @ ea_t
                             + p['convs'][l]['b'][:, None], CH_M)
            for l in range(L)]
    c4 = _to_group_layout(W1[2 * F:].T @ ea_t + p['head_b1'][:, None], CH_H)

    h = x @ p['embed_W'] + p['embed_b']
    for l in range(L):
        cp = p['convs'][l]
        hw_flat = (h @ cp['Wmsg']).T.reshape(-1)
        agg_t = _msgpass(hw_flat, ew4s[l], pidx).reshape(F, N)
        h = _ln(h + agg_t.T, cp['ln_g'], cp['ln_b'])
        h = gamma[l][None, :] * h + beta[l][None, :]

    as_flat = (h @ W1[:F]).T.reshape(-1)
    bd_flat = (h @ W1[F:2 * F]).T.reshape(-1)
    w2 = p['head_W2'][:, 0]
    w2g = jnp.broadcast_to(w2.reshape(NW, CPT)[:, :, None], (NW, CPT, LANES))
    partials = _edgehead(as_flat, bd_flat, c4, pidx, w2g).reshape(NW, E)
    edge_logits = partials.sum(axis=0) + p['head_b2'][0]

    h_graph = jnp.mean(h, axis=0, keepdims=True)
    state = jnp.concatenate([h_flow, h_graph], axis=1)
    value = (jax.nn.relu(state @ p['critic_W1'] + p['critic_b1']) @ p['critic_W2'] + p['critic_b2'])[:, 0]
    return edge_logits, value

# --- scband reference (transcript-rebuilt; emitter-appended) ---
"""Pipeline reference for scband-actor-critic-85315230367781 (READ-ONLY COPY).

The authoritative reference and input builder live on the scoring server;
editing this copy changes nothing except your own understanding.
"""

import jax, jax.numpy as jnp
import numpy as np

N_NODES = 10000
N_EDGES = 320000
D_NODE = 128
D_EDGE = 16
H = 128
L = 3
LSTM_IN = 64
LSTM_H = 128
LSTM_LAYERS = 2
SEQ = 50


def setup_inputs(seed: int = 0):
    key = jax.random.key(seed)
    ks = jax.random.split(key, 64)
    ctr = [0]
    def nxt():
        ctr[0] += 1
        return ks[ctr[0] - 1]
    def nrm(shape, scale=1.0):
        return jax.random.normal(nxt(), shape, dtype=jnp.float32) * scale
    flow_fingerprint = nrm((1, SEQ, LSTM_IN))
    x = nrm((N_NODES, D_NODE))
    edge_index = jax.random.randint(nxt(), (2, N_EDGES), 0, N_NODES, dtype=jnp.int32)
    edge_attr = nrm((N_EDGES, D_EDGE))
    batch = jnp.zeros((N_NODES,), dtype=jnp.int32)
    params = {}
    lstm = []
    for l in range(LSTM_LAYERS):
        in_dim = LSTM_IN if l == 0 else LSTM_H
        lstm.append({
            'Wih': nrm((4 * LSTM_H, in_dim), 1.0 / np.sqrt(in_dim)),
            'Whh': nrm((4 * LSTM_H, LSTM_H), 1.0 / np.sqrt(LSTM_H)),
            'b': jnp.zeros((4 * LSTM_H,), jnp.float32),
        })
    params['lstm'] = lstm
    params['film_W1'] = nrm((LSTM_H, H), 1.0 / np.sqrt(LSTM_H))
    params['film_b1'] = jnp.zeros((H,), jnp.float32)
    params['film_W2'] = nrm((H, L * 2 * H), 0.01 / np.sqrt(H))
    params['film_b2'] = jnp.zeros((L * 2 * H,), jnp.float32)
    params['embed_W'] = nrm((D_NODE, H), 1.0 / np.sqrt(D_NODE))
    params['embed_b'] = jnp.zeros((H,), jnp.float32)
    convs = []
    for l in range(L):
        convs.append({
            'Wmsg': nrm((H, H), 1.0 / np.sqrt(H)),
            'Wedge': nrm((D_EDGE, H), 1.0 / np.sqrt(D_EDGE)),
            'b': jnp.zeros((H,), jnp.float32),
            'ln_g': jnp.ones((H,), jnp.float32),
            'ln_b': jnp.zeros((H,), jnp.float32),
        })
    params['convs'] = convs
    params['head_W1'] = nrm((2 * H + D_EDGE, H), 1.0 / np.sqrt(2 * H + D_EDGE))
    params['head_b1'] = jnp.zeros((H,), jnp.float32)
    params['head_W2'] = nrm((H, 1), 1.0 / np.sqrt(H))
    params['head_b2'] = jnp.zeros((1,), jnp.float32)
    params['critic_W1'] = nrm((LSTM_H + H, H), 1.0 / np.sqrt(LSTM_H + H))
    params['critic_b1'] = jnp.zeros((H,), jnp.float32)
    params['critic_W2'] = nrm((H, 1), 1.0 / np.sqrt(H))
    params['critic_b2'] = jnp.zeros((1,), jnp.float32)
    return {'flow_fingerprint': flow_fingerprint, 'x': x, 'edge_attr': edge_attr,
            'edge_index': edge_index, 'batch': batch, 'params': params}


def _layer_norm(x, g, b):
    m = jnp.mean(x, axis=-1, keepdims=True)
    v = jnp.var(x, axis=-1, keepdims=True)
    return (x - m) / jnp.sqrt(v + 1e-5) * g + b


def _lstm(xseq, lstm_params):
    h_seq = xseq
    hT = None
    for lp in lstm_params:
        Wih, Whh, b = lp['Wih'], lp['Whh'], lp['b']
        B = h_seq.shape[0]
        Hh = Whh.shape[1]
        def step(carry, xt):
            h, c = carry
            gates = xt @ Wih.T + h @ Whh.T + b
            i, f, g, o = jnp.split(gates, 4, axis=-1)
            i = jax.nn.sigmoid(i)
            f = jax.nn.sigmoid(f)
            g = jnp.tanh(g)
            o = jax.nn.sigmoid(o)
            c = f * c + i * g
            h = o * jnp.tanh(c)
            return (h, c), h
        init = (jnp.zeros((B, Hh), jnp.float32), jnp.zeros((B, Hh), jnp.float32))
        (hT, _), ys = jax.lax.scan(step, init, jnp.swapaxes(h_seq, 0, 1))
        h_seq = jnp.swapaxes(ys, 0, 1)
    return hT


def _forward(flow_fingerprint, x, edge_attr, edge_index, batch, params):
    h_flow = _lstm(flow_fingerprint, params['lstm'])
    film = jax.nn.relu(h_flow @ params['film_W1'] + params['film_b1']) @ params['film_W2'] + params['film_b2']
    film = film.reshape(-1, L, 2, H)
    gamma = 1.0 + film[0, :, 0, :]
    beta = film[0, :, 1, :]
    src = edge_index[0]
    dst = edge_index[1]
    h = x @ params['embed_W'] + params['embed_b']
    for l in range(L):
        cp = params['convs'][l]
        msg = jax.nn.relu(jnp.take(h, src, axis=0) @ cp['Wmsg'] + edge_attr @ cp['Wedge'] + cp['b'])
        agg = jax.ops.segment_sum(msg, dst, num_segments=h.shape[0])
        h = _layer_norm(h + agg, cp['ln_g'], cp['ln_b'])
        h = gamma[l][None, :] * h + beta[l][None, :]
    e_in = jnp.concatenate([jnp.take(h, src, axis=0), jnp.take(h, dst, axis=0), edge_attr], axis=-1)
    edge_logits = (jax.nn.relu(e_in @ params['head_W1'] + params['head_b1']) @ params['head_W2'] + params['head_b2'])[:, 0]
    summ = jax.ops.segment_sum(h, batch, num_segments=1)
    cnt = jax.ops.segment_sum(jnp.ones((h.shape[0], 1), jnp.float32), batch, num_segments=1)
    h_graph = summ / jnp.maximum(cnt, 1.0)
    state = jnp.concatenate([h_flow, h_graph], axis=1)
    value = (jax.nn.relu(state @ params['critic_W1'] + params['critic_b1']) @ params['critic_W2'] + params['critic_b2'])[:, 0]
    return edge_logits, value


def reference(flow_fingerprint, x, edge_attr, edge_index, batch, params):
    # Returns (edge_logits for Categorical dist, value) like the torch module
    return _forward(flow_fingerprint, x, edge_attr, edge_index, batch, params)

if __name__ == "__main__":
    import jax
    _d = setup_inputs()
    print(jax.jit(kernel)(*tuple(_d.values())))

</pallas_src>

<mosaic_0001>
#map = affine_map<(d0, d1) -> (0)>
#map1 = affine_map<(d0, d1) -> (0, 0, 0, 0)>
module attributes {stable_mosaic.version = 14 : i64} {
  func.func @_msgpass_body(%arg0: i32, %arg1: i32, %arg2: memref<1280000xf32, #tpu.memory_space<hbm>>, %arg3: memref<250x16x8x1280xf32, #tpu.memory_space<hbm>>, %arg4: memref<320000xi32, #tpu.memory_space<hbm>>, %arg5: memref<1280000xf32, #tpu.memory_space<hbm>>, %arg6: memref<40000xf32, #tpu.memory_space<vmem>>, %arg7: memref<40000xf32, #tpu.memory_space<vmem>>, %arg8: memref<2x1280xi32, #tpu.memory_space<vmem>>, %arg9: memref<2x8x1280xf32, #tpu.memory_space<vmem>>, %arg10: memref<2x!tpu.dma_semaphore, #tpu.memory_space<semaphore_mem>>) attributes {dimension_semantics = [#tpu.dimension_semantics<core_parallel>, #tpu.dimension_semantics<subcore_parallel>], iteration_bounds = array<i64: 2, 16>, scalar_prefetch = 0 : i64, scratch_operands = 5 : i64, tpu.core_type = #tpu.core_type<sc_vector_subcore>, window_params = [{transform_indices = #map}, {transform_indices = #map1}, {transform_indices = #map}, {transform_indices = #map}]} {
    %mul3A = arith.constant 16 : i32
    %mul3A_0 = arith.muli %arg0, %mul3A : i32
    %add3A = arith.addi %mul3A_0, %arg1 : i32
    %mul3A_1 = arith.constant 4 : i32
    %mul3A_2 = arith.muli %add3A, %mul3A_1 : i32
    %jit3A = arith.constant 2 : i32
    %eq3A = arith.constant 0 : i32
    %eq3A_3 = arith.cmpi eq, %jit3A, %eq3A : i32
    %jit3A_4 = arith.constant 1 : i32
    %select_n3A = arith.select %eq3A_3, %jit3A_4, %jit3A : i32
    %rem3A = arith.remsi %add3A, %select_n3A : i32
    %ne3A = arith.constant 0 : i32
    %ne3A_5 = arith.cmpi ne, %rem3A, %ne3A : i32
    %lt3A = arith.constant 0 : i32
    %lt3A_6 = arith.cmpi slt, %rem3A, %lt3A : i32
    %lt3A_7 = arith.constant 0 : i32
    %lt3A_8 = arith.cmpi slt, %select_n3A, %lt3A_7 : i32
    %ne3A_9 = arith.xori %lt3A_6, %lt3A_8 : i1
    %and3A = arith.andi %ne3A_9, %ne3A_5 : i1
    %add3A_10 = arith.addi %rem3A, %select_n3A : i32
    %select_n3A_11 = arith.select %and3A, %add3A_10, %rem3A : i32
    %jit3A_12 = arith.constant 2 : i32
    %div3A = arith.divsi %add3A, %jit3A_12 : i32
    %sign3A = arith.constant 0 : i32
    %sign3A_13 = arith.cmpi sgt, %add3A, %sign3A : i32
    %sign3A_14 = arith.extui %sign3A_13 : i1 to i32
    %sign3A_15 = arith.constant 0 : i32
    %sign3A_16 = arith.cmpi slt, %add3A, %sign3A_15 : i32
    %sign3A_17 = arith.extui %sign3A_16 : i1 to i32
    %sign3A_18 = arith.subi %sign3A_14, %sign3A_17 : i32
    %sign3A_19 = arith.constant 0 : i32
    %sign3A_20 = arith.cmpi sgt, %jit3A_12, %sign3A_19 : i32
    %sign3A_21 = arith.extui %sign3A_20 : i1 to i32
    %sign3A_22 = arith.constant 0 : i32
    %sign3A_23 = arith.cmpi slt, %jit3A_12, %sign3A_22 : i32
    %sign3A_24 = arith.extui %sign3A_23 : i1 to i32
    %sign3A_25 = arith.subi %sign3A_21, %sign3A_24 : i32
    %ne3A_26 = arith.cmpi ne, %sign3A_18, %sign3A_25 : i32
    %rem3A_27 = arith.remsi %add3A, %jit3A_12 : i32
    %ne3A_28 = arith.constant 0 : i32
    %ne3A_29 = arith.cmpi ne, %rem3A_27, %ne3A_28 : i32
    %and3A_30 = arith.andi %ne3A_26, %ne3A_29 : i1
    %sub3A = arith.constant 1 : i32
    %sub3A_31 = arith.subi %div3A, %sub3A : i32
    %select_n3A_32 = arith.select %and3A_30, %sub3A_31, %div3A : i32
    %mul3A_33 = arith.constant 10000 : i32
    %mul3A_34 = arith.muli %mul3A_2, %mul3A_33 : i32
    "tpu.region"() ({
      %run_scoped3A = tpu.sem_alloc : memref<!tpu.dma_semaphore, #tpu.memory_space<semaphore_mem>>
      %dma_start3A_79 = tpu.memref_slice %arg2[%mul3A_34] : memref<1280000xf32, #tpu.memory_space<hbm>> -> memref<40000xf32, #tpu.memory_space<hbm>>
      %dma_start3A_80 = tpu.memref_slice %arg2[%mul3A_34] : memref<1280000xf32, #tpu.memory_space<hbm>> -> memref<40000xf32, #tpu.memory_space<hbm>>
      tpu.enqueue_dma source(%dma_start3A_80 : memref<40000xf32, #tpu.memory_space<hbm>>) target(%arg6 : memref<40000xf32, #tpu.memory_space<vmem>>) target_semaphore(%run_scoped3A : memref<!tpu.dma_semaphore, #tpu.memory_space<semaphore_mem>>)
      %dma_wait3A = tpu.memref_slice %arg2[%mul3A_34] : memref<1280000xf32, #tpu.memory_space<hbm>> -> memref<40000xf32, #tpu.memory_space<hbm>>
      %dma_wait3A_81 = tpu.memref_slice %arg2[%mul3A_34] : memref<1280000xf32, #tpu.memory_space<hbm>> -> memref<40000xf32, #tpu.memory_space<hbm>>
      tpu.wait_dma2 semaphore(%run_scoped3A : memref<!tpu.dma_semaphore, #tpu.memory_space<semaphore_mem>>) src(%dma_wait3A_81 : memref<40000xf32, #tpu.memory_space<hbm>>) dst(%arg6 : memref<40000xf32, #tpu.memory_space<vmem>>)
      tpu.yield
    }) : () -> ()
    %broadcast_in_dim3A = arith.constant 0.000000e+00 : f32
    %broadcast_in_dim3A_35 = vector.broadcast %broadcast_in_dim3A : f32 to vector<16xf32>
    %parallel_loop3A = arith.constant 0 : i32
    %parallel_loop3A_36 = arith.constant 2500 : i32
    %parallel_loop3A_37 = arith.constant 1 : i32
    scf.for %parallel_loop3A_79 = %parallel_loop3A to %parallel_loop3A_36 step %parallel_loop3A_37  : i32 {
      %parallel_loop3A_80 = arith.constant 16 : i32
      %parallel_loop3A_81 = arith.muli %parallel_loop3A_79, %parallel_loop3A_80 : i32
      %parallel_loop3A_82 = arith.index_cast %parallel_loop3A_81 : i32 to index
      %parallel_loop3A_83 = tpu.vector_load %arg7[%parallel_loop3A_82] {strides = array<i32>} : memref<40000xf32, #tpu.memory_space<vmem>>, vector<16xf32>,
      tpu.vector_store %arg7[%parallel_loop3A_82], %broadcast_in_dim3A_35 {strides = array<i32>} : memref<40000xf32, #tpu.memory_space<vmem>>, vector<16xf32>,
    } {sc.loop_unroll_factor = 1 : i64, sc.parallel_access}
    %dma_start3A = arith.constant 0 : i32
    %dma_start3A_38 = arith.constant 0 : i32
    %dma_start3A_39 = arith.constant 0 : i32
    %dma_start3A_40 = tpu.memref_slice %arg8[%dma_start3A, %dma_start3A_39] : memref<2x1280xi32, #tpu.memory_space<vmem>> -> memref<1x1280xi32, #tpu.memory_space<vmem>>
    %dma_start3A_41 = tpu.memref_squeeze %dma_start3A_40 : memref<1x1280xi32, #tpu.memory_space<vmem>> -> memref<1280xi32, #tpu.memory_space<vmem>>
    %dma_start3A_42 = arith.constant 0 : i32
    %dma_start3A_43 = tpu.memref_slice %arg4[%dma_start3A_42] : memref<320000xi32, #tpu.memory_space<hbm>> -> memref<1280xi32, #tpu.memory_space<hbm>>
    %dma_start3A_44 = tpu.memref_slice %arg10[%dma_start3A_38] : memref<2x!tpu.dma_semaphore, #tpu.memory_space<semaphore_mem>> -> memref<1x!tpu.dma_semaphore, #tpu.memory_space<semaphore_mem>>
    %dma_start3A_45 = tpu.memref_squeeze %dma_start3A_44 : memref<1x!tpu.dma_semaphore, #tpu.memory_space<semaphore_mem>> -> memref<!tpu.dma_semaphore, #tpu.memory_space<semaphore_mem>>
    %dma_start3A_46 = arith.constant 0 : i32
    %dma_start3A_47 = tpu.memref_slice %arg8[%dma_start3A, %dma_start3A_46] : memref<2x1280xi32, #tpu.memory_space<vmem>> -> memref<1x1280xi32, #tpu.memory_space<vmem>>
    %dma_start3A_48 = tpu.memref_squeeze %dma_start3A_47 : memref<1x1280xi32, #tpu.memory_space<vmem>> -> memref<1280xi32, #tpu.memory_space<vmem>>
    %dma_start3A_49 = arith.constant 0 : i32
    %dma_start3A_50 = tpu.memref_slice %arg4[%dma_start3A_49] : memref<320000xi32, #tpu.memory_space<hbm>> -> memref<1280xi32, #tpu.memory_space<hbm>>
    tpu.enqueue_dma source(%dma_start3A_50 : memref<1280xi32, #tpu.memory_space<hbm>>) target(%dma_start3A_48 : memref<1280xi32, #tpu.memory_space<vmem>>) target_semaphore(%dma_start3A_45 : memref<!tpu.dma_semaphore, #tpu.memory_space<semaphore_mem>>)
    %dma_start3A_51 = arith.constant 0 : i32
    %dma_start3A_52 = arith.constant 0 : i32
    %dma_start3A_53 = arith.constant 0 : i32
    %dma_start3A_54 = arith.constant 0 : i32
    %dma_start3A_55 = arith.constant 0 : i32
    %dma_start3A_56 = tpu.memref_slice %arg9[%dma_start3A_52, %dma_start3A_54, %dma_start3A_55] : memref<2x8x1280xf32, #tpu.memory_space<vmem>> -> memref<1x8x1280xf32, #tpu.memory_space<vmem>>
    %dma_start3A_57 = tpu.memref_squeeze %dma_start3A_56 : memref<1x8x1280xf32, #tpu.memory_space<vmem>> -> memref<8x1280xf32, #tpu.memory_space<vmem>>
    %dma_start3A_58 = arith.constant 0 : i32
    %dma_start3A_59 = arith.constant 0 : i32
    %dma_start3A_60 = tpu.memref_slice %arg3[%dma_start3A_51, %select_n3A_32, %dma_start3A_58, %dma_start3A_59] : memref<250x16x8x1280xf32, #tpu.memory_space<hbm>> -> memref<1x1x8x1280xf32, #tpu.memory_space<hbm>>
    %dma_start3A_61 = tpu.memref_squeeze %dma_start3A_60 : memref<1x1x8x1280xf32, #tpu.memory_space<hbm>> -> memref<8x1280xf32, #tpu.memory_space<hbm>>
    %dma_start3A_62 = tpu.memref_slice %arg10[%dma_start3A_53] : memref<2x!tpu.dma_semaphore, #tpu.memory_space<semaphore_mem>> -> memref<1x!tpu.dma_semaphore, #tpu.memory_space<semaphore_mem>>
    %dma_start3A_63 = tpu.memref_squeeze %dma_start3A_62 : memref<1x!tpu.dma_semaphore, #tpu.memory_space<semaphore_mem>> -> memref<!tpu.dma_semaphore, #tpu.memory_space<semaphore_mem>>
    %dma_start3A_64 = arith.constant 0 : i32
    %dma_start3A_65 = arith.constant 0 : i32
    %dma_start3A_66 = tpu.memref_slice %arg9[%dma_start3A_52, %dma_start3A_64, %dma_start3A_65] : memref<2x8x1280xf32, #tpu.memory_space<vmem>> -> memref<1x8x1280xf32, #tpu.memory_space<vmem>>
    %dma_start3A_67 = tpu.memref_squeeze %dma_start3A_66 : memref<1x8x1280xf32, #tpu.memory_space<vmem>> -> memref<8x1280xf32, #tpu.memory_space<vmem>>
    %dma_start3A_68 = arith.constant 0 : i32
    %dma_start3A_69 = arith.constant 0 : i32
    %dma_start3A_70 = tpu.memref_slice %arg3[%dma_start3A_51, %select_n3A_32, %dma_start3A_68, %dma_start3A_69] : memref<250x16x8x1280xf32, #tpu.memory_space<hbm>> -> memref<1x1x8x1280xf32, #tpu.memory_space<hbm>>
    %dma_start3A_71 = tpu.memref_squeeze %dma_start3A_70 : memref<1x1x8x1280xf32, #tpu.memory_space<hbm>> -> memref<8x1280xf32, #tpu.memory_space<hbm>>
    tpu.enqueue_dma source(%dma_start3A_71 : memref<8x1280xf32, #tpu.memory_space<hbm>>) target(%dma_start3A_67 : memref<8x1280xf32, #tpu.memory_space<vmem>>) target_semaphore(%dma_start3A_63 : memref<!tpu.dma_semaphore, #tpu.memory_space<semaphore_mem>>)
    %scan3A = arith.constant 0 : i32
    %scan3A_72 = arith.constant 0 : i32
    %scan3A_73 = arith.constant 125 : i32
    %scan3A_74 = arith.addi %scan3A_72, %scan3A_73 : i32
    %scan3A_75 = arith.constant 1 : i32
    scf.for %scan3A_79 = %scan3A_72 to %scan3A_74 step %scan3A_75  : i32 {
      %mul3A_80 = arith.constant 2 : i32
      %mul3A_81 = arith.muli %scan3A_79, %mul3A_80 : i32
      %add3A_82 = arith.constant 1 : i32
      %add3A_83 = arith.addi %mul3A_81, %add3A_82 : i32
      %mul3A_84 = arith.constant 1280 : i32
      %mul3A_85 = arith.muli %add3A_83, %mul3A_84 : i32
      %dma_start3A_86 = arith.constant 1 : i32
      %dma_start3A_87 = arith.constant 1 : i32
      %dma_start3A_88 = arith.constant 0 : i32
      %dma_start3A_89 = tpu.memref_slice %arg8[%dma_start3A_86, %dma_start3A_88] : memref<2x1280xi32, #tpu.memory_space<vmem>> -> memref<1x1280xi32, #tpu.memory_space<vmem>>
      %dma_start3A_90 = tpu.memref_squeeze %dma_start3A_89 : memref<1x1280xi32, #tpu.memory_space<vmem>> -> memref<1280xi32, #tpu.memory_space<vmem>>
      %dma_start3A_91 = tpu.memref_slice %arg4[%mul3A_85] : memref<320000xi32, #tpu.memory_space<hbm>> -> memref<1280xi32, #tpu.memory_space<hbm>>
      %dma_start3A_92 = tpu.memref_slice %arg10[%dma_start3A_87] : memref<2x!tpu.dma_semaphore, #tpu.memory_space<semaphore_mem>> -> memref<1x!tpu.dma_semaphore, #tpu.memory_space<semaphore_mem>>
      %dma_start3A_93 = tpu.memref_squeeze %dma_start3A_92 : memref<1x!tpu.dma_semaphore, #tpu.memory_space<semaphore_mem>> -> memref<!tpu.dma_semaphore, #tpu.memory_space<semaphore_mem>>
      %dma_start3A_94 = arith.constant 0 : i32
      %dma_start3A_95 = tpu.memref_slice %arg8[%dma_start3A_86, %dma_start3A_94] : memref<2x1280xi32, #tpu.memory_space<vmem>> -> memref<1x1280xi32, #tpu.memory_space<vmem>>
      %dma_start3A_96 = tpu.memref_squeeze %dma_start3A_95 : memref<1x1280xi32, #tpu.memory_space<vmem>> -> memref<1280xi32, #tpu.memory_space<vmem>>
      %dma_start3A_97 = tpu.memref_slice %arg4[%mul3A_85] : memref<320000xi32, #tpu.memory_space<hbm>> -> memref<1280xi32, #tpu.memory_space<hbm>>
      tpu.enqueue_dma source(%dma_start3A_97 : memref<1280xi32, #tpu.memory_space<hbm>>) target(%dma_start3A_96 : memref<1280xi32, #tpu.memory_space<vmem>>) target_semaphore(%dma_start3A_93 : memref<!tpu.dma_semaphore, #tpu.memory_space<semaphore_mem>>)
      %dma_start3A_98 = arith.constant 1 : i32
      %dma_start3A_99 = arith.constant 1 : i32
      %dma_start3A_100 = arith.constant 0 : i32
      %dma_start3A_101 = arith.constant 0 : i32
      %dma_start3A_102 = tpu.memref_slice %arg9[%dma_start3A_98, %dma_start3A_100, %dma_start3A_101] : memref<2x8x1280xf32, #tpu.memory_space<vmem>> -> memref<1x8x1280xf32, #tpu.memory_space<vmem>>
      %dma_start3A_103 = tpu.memref_squeeze %dma_start3A_102 : memref<1x8x1280xf32, #tpu.memory_space<vmem>> -> memref<8x1280xf32, #tpu.memory_space<vmem>>
      %dma_start3A_104 = arith.constant 0 : i32
      %dma_start3A_105 = arith.constant 0 : i32
      %dma_start3A_106 = tpu.memref_slice %arg3[%add3A_83, %select_n3A_32, %dma_start3A_104, %dma_start3A_105] : memref<250x16x8x1280xf32, #tpu.memory_space<hbm>> -> memref<1x1x8x1280xf32, #tpu.memory_space<hbm>>
      %dma_start3A_107 = tpu.memref_squeeze %dma_start3A_106 : memref<1x1x8x1280xf32, #tpu.memory_space<hbm>> -> memref<8x1280xf32, #tpu.memory_space<hbm>>
      %dma_start3A_108 = tpu.memref_slice %arg10[%dma_start3A_99] : memref<2x!tpu.dma_semaphore, #tpu.memory_space<semaphore_mem>> -> memref<1x!tpu.dma_semaphore, #tpu.memory_space<semaphore_mem>>
      %dma_start3A_109 = tpu.memref_squeeze %dma_start3A_108 : memref<1x!tpu.dma_semaphore, #tpu.memory_space<semaphore_mem>> -> memref<!tpu.dma_semaphore, #tpu.memory_space<semaphore_mem>>
      %dma_start3A_110 = arith.constant 0 : i32
      %dma_start3A_111 = arith.constant 0 : i32
      %dma_start3A_112 = tpu.memref_slice %arg9[%dma_start3A_98, %dma_start3A_110, %dma_start3A_111] : memref<2x8x1280xf32, #tpu.memory_space<vmem>> -> memref<1x8x1280xf32, #tpu.memory_space<vmem>>
      %dma_start3A_113 = tpu.memref_squeeze %dma_start3A_112 : memref<1x8x1280xf32, #tpu.memory_space<vmem>> -> memref<8x1280xf32, #tpu.memory_space<vmem>>
      %dma_start3A_114 = arith.constant 0 : i32
      %dma_start3A_115 = arith.constant 0 : i32
      %dma_start3A_116 = tpu.memref_slice %arg3[%add3A_83, %select_n3A_32, %dma_start3A_114, %dma_start3A_115] : memref<250x16x8x1280xf32, #tpu.memory_space<hbm>> -> memref<1x1x8x1280xf32, #tpu.memory_space<hbm>>
      %dma_start3A_117 = tpu.memref_squeeze %dma_start3A_116 : memref<1x1x8x1280xf32, #tpu.memory_space<hbm>> -> memref<8x1280xf32, #tpu.memory_space<hbm>>
      tpu.enqueue_dma source(%dma_start3A_117 : memref<8x1280xf32, #tpu.memory_space<hbm>>) target(%dma_start3A_113 : memref<8x1280xf32, #tpu.memory_space<vmem>>) target_semaphore(%dma_start3A_109 : memref<!tpu.dma_semaphore, #tpu.memory_space<semaphore_mem>>)
      %dma_wait3A = arith.constant 0 : i32
      %dma_wait3A_118 = arith.constant 0 : i32
      %dma_wait3A_119 = arith.constant 0 : i32
      %dma_wait3A_120 = tpu.memref_slice %arg8[%dma_wait3A, %dma_wait3A_119] : memref<2x1280xi32, #tpu.memory_space<vmem>> -> memref<1x1280xi32, #tpu.memory_space<vmem>>
      %dma_wait3A_121 = tpu.memref_squeeze %dma_wait3A_120 : memref<1x1280xi32, #tpu.memory_space<vmem>> -> memref<1280xi32, #tpu.memory_space<vmem>>
      %dma_wait3A_122 = arith.constant 0 : i32
      %dma_wait3A_123 = tpu.memref_slice %arg4[%dma_wait3A_122] : memref<320000xi32, #tpu.memory_space<hbm>> -> memref<1280xi32, #tpu.memory_space<hbm>>
      %dma_wait3A_124 = tpu.memref_slice %arg10[%dma_wait3A_118] : memref<2x!tpu.dma_semaphore, #tpu.memory_space<semaphore_mem>> -> memref<1x!tpu.dma_semaphore, #tpu.memory_space<semaphore_mem>>
      %dma_wait3A_125 = tpu.memref_squeeze %dma_wait3A_124 : memref<1x!tpu.dma_semaphore, #tpu.memory_space<semaphore_mem>> -> memref<!tpu.dma_semaphore, #tpu.memory_space<semaphore_mem>>
      %dma_wait3A_126 = arith.constant 0 : i32
      %dma_wait3A_127 = tpu.memref_slice %arg8[%dma_wait3A, %dma_wait3A_126] : memref<2x1280xi32, #tpu.memory_space<vmem>> -> memref<1x1280xi32, #tpu.memory_space<vmem>>
      %dma_wait3A_128 = tpu.memref_squeeze %dma_wait3A_127 : memref<1x1280xi32, #tpu.memory_space<vmem>> -> memref<1280xi32, #tpu.memory_space<vmem>>
      %dma_wait3A_129 = arith.constant 0 : i32
      %dma_wait3A_130 = tpu.memref_slice %arg4[%dma_wait3A_129] : memref<320000xi32, #tpu.memory_space<hbm>> -> memref<1280xi32, #tpu.memory_space<hbm>>
      tpu.wait_dma2 semaphore(%dma_wait3A_125 : memref<!tpu.dma_semaphore, #tpu.memory_space<semaphore_mem>>) src(%dma_wait3A_130 : memref<1280xi32, #tpu.memory_space<hbm>>) dst(%dma_wait3A_128 : memref<1280xi32, #tpu.memory_space<vmem>>)
      %dma_wait3A_131 = arith.constant 0 : i32
      %dma_wait3A_132 = arith.constant 0 : i32
      %dma_wait3A_133 = arith.constant 0 : i32
      %dma_wait3A_134 = arith.constant 0 : i32
      %dma_wait3A_135 = arith.constant 0 : i32
      %dma_wait3A_136 = arith.constant 0 : i32
      %dma_wait3A_137 = tpu.memref_slice %arg9[%dma_wait3A_133, %dma_wait3A_135, %dma_wait3A_136] : memref<2x8x1280xf32, #tpu.memory_space<vmem>> -> memref<1x8x1280xf32, #tpu.memory_space<vmem>>
      %dma_wait3A_138 = tpu.memref_squeeze %dma_wait3A_137 : memref<1x8x1280xf32, #tpu.memory_space<vmem>> -> memref<8x1280xf32, #tpu.memory_space<vmem>>
      %dma_wait3A_139 = arith.constant 0 : i32
      %dma_wait3A_140 = arith.constant 0 : i32
      %dma_wait3A_141 = tpu.memref_slice %arg3[%dma_wait3A_131, %dma_wait3A_132, %dma_wait3A_139, %dma_wait3A_140] : memref<250x16x8x1280xf32, #tpu.memory_space<hbm>> -> memref<1x1x8x1280xf32, #tpu.memory_space<hbm>>
      %dma_wait3A_142 = tpu.memref_squeeze %dma_wait3A_141 : memref<1x1x8x1280xf32, #tpu.memory_space<hbm>> -> memref<8x1280xf32, #tpu.memory_space<hbm>>
      %dma_wait3A_143 = tpu.memref_slice %arg10[%dma_wait3A_134] : memref<2x!tpu.dma_semaphore, #tpu.memory_space<semaphore_mem>> -> memref<1x!tpu.dma_semaphore, #tpu.memory_space<semaphore_mem>>
      %dma_wait3A_144 = tpu.memref_squeeze %dma_wait3A_143 : memref<1x!tpu.dma_semaphore, #tpu.memory_space<semaphore_mem>> -> memref<!tpu.dma_semaphore, #tpu.memory_space<semaphore_mem>>
      %dma_wait3A_145 = arith.constant 0 : i32
      %dma_wait3A_146 = arith.constant 0 : i32
      %dma_wait3A_147 = tpu.memref_slice %arg9[%dma_wait3A_133, %dma_wait3A_145, %dma_wait3A_146] : memref<2x8x1280xf32, #tpu.memory_space<vmem>> -> memref<1x8x1280xf32, #tpu.memory_space<vmem>>
      %dma_wait3A_148 = tpu.memref_squeeze %dma_wait3A_147 : memref<1x8x1280xf32, #tpu.memory_space<vmem>> -> memref<8x1280xf32, #tpu.memory_space<vmem>>
      %dma_wait3A_149 = arith.constant 0 : i32
      %dma_wait3A_150 = arith.constant 0 : i32
      %dma_wait3A_151 = tpu.memref_slice %arg3[%dma_wait3A_131, %dma_wait3A_132, %dma_wait3A_149, %dma_wait3A_150] : memref<250x16x8x1280xf32, #tpu.memory_space<hbm>> -> memref<1x1x8x1280xf32, #tpu.memory_space<hbm>>
      %dma_wait3A_152 = tpu.memref_squeeze %dma_wait3A_151 : memref<1x1x8x1280xf32, #tpu.memory_space<hbm>> -> memref<8x1280xf32, #tpu.memory_space<hbm>>
      tpu.wait_dma2 semaphore(%dma_wait3A_144 : memref<!tpu.dma_semaphore, #tpu.memory_space<semaphore_mem>>) src(%dma_wait3A_152 : memref<8x1280xf32, #tpu.memory_space<hbm>>) dst(%dma_wait3A_148 : memref<8x1280xf32, #tpu.memory_space<vmem>>)
      %parallel_loop3A_153 = arith.constant 0 : i32
      %parallel_loop3A_154 = arith.constant 80 : i32
      %parallel_loop3A_155 = arith.constant 1 : i32
      scf.for %parallel_loop3A_200 = %parallel_loop3A_153 to %parallel_loop3A_154 step %parallel_loop3A_155  : i32 {
        %parallel_loop3A_201 = arith.constant 16 : i32
        %parallel_loop3A_202 = arith.muli %parallel_loop3A_200, %parallel_loop3A_201 : i32
        %parallel_loop3A_203 = arith.constant 0 : i32
        %parallel_loop3A_204 = arith.index_cast %parallel_loop3A_203 : i32 to index
        %parallel_loop3A_205 = arith.index_cast %parallel_loop3A_202 : i32 to index
        %parallel_loop3A_206 = tpu.vector_load %arg8[%parallel_loop3A_204, %parallel_loop3A_205] {strides = array<i32>} : memref<2x1280xi32, #tpu.memory_space<vmem>>, vector<16xi32>,
        %parallel_loop3A_207 = arith.constant 16383 : i32
        %parallel_loop3A_208 = vector.broadcast %parallel_loop3A_207 : i32 to vector<16xi32>
        %parallel_loop3A_209 = arith.andi %parallel_loop3A_206, %parallel_loop3A_208 : vector<16xi32>
        %parallel_loop3A_210 = arith.constant 14 : i32
        %parallel_loop3A_211 = vector.broadcast %parallel_loop3A_210 : i32 to vector<16xi32>
        %parallel_loop3A_212 = arith.shrsi %parallel_loop3A_206, %parallel_loop3A_211 : vector<16xi32>
        %parallel_loop3A_213 = arith.constant 0 : i32
        %parallel_loop3A_214 = vector.broadcast %parallel_loop3A_213 : i32 to vector<16xi32>
        %parallel_loop3A_215 = arith.addi %parallel_loop3A_209, %parallel_loop3A_214 : vector<16xi32>
        %parallel_loop3A_216 = tpu.vector_load_idx %arg6[%parallel_loop3A_215] : memref<40000xf32, #tpu.memory_space<vmem>>[vector<16xi32>], vector<16xf32>,
        %parallel_loop3A_217 = arith.constant 4 : i32
        %parallel_loop3A_218 = arith.muli %select_n3A_11, %parallel_loop3A_217 : i32
        %parallel_loop3A_219 = arith.constant 0 : i32
        %parallel_loop3A_220 = arith.addi %parallel_loop3A_218, %parallel_loop3A_219 : i32
        %parallel_loop3A_221 = arith.constant 16 : i32
        %parallel_loop3A_222 = arith.muli %parallel_loop3A_200, %parallel_loop3A_221 : i32
        %parallel_loop3A_223 = arith.constant 0 : i32
        %parallel_loop3A_224 = arith.index_cast %parallel_loop3A_223 : i32 to index
        %parallel_loop3A_225 = arith.index_cast %parallel_loop3A_220 : i32 to index
        %parallel_loop3A_226 = arith.index_cast %parallel_loop3A_222 : i32 to index
        %parallel_loop3A_227 = tpu.vector_load %arg9[%parallel_loop3A_224, %parallel_loop3A_225, %parallel_loop3A_226] {strides = array<i32>} : memref<2x8x1280xf32, #tpu.memory_space<vmem>>, vector<16xf32>,
        %parallel_loop3A_228 = arith.addf %parallel_loop3A_216, %parallel_loop3A_227 : vector<16xf32>
        %parallel_loop3A_229 = arith.constant 0.000000e+00 : f32
        %parallel_loop3A_230 = vector.broadcast %parallel_loop3A_229 : f32 to vector<16xf32>
        %parallel_loop3A_231 = arith.maximumf %parallel_loop3A_228, %parallel_loop3A_230 : vector<16xf32>
        %parallel_loop3A_232 = arith.constant 0 : i32
        %parallel_loop3A_233 = vector.broadcast %parallel_loop3A_232 : i32 to vector<16xi32>
        %parallel_loop3A_234 = arith.addi %parallel_loop3A_212, %parallel_loop3A_233 : vector<16xi32>
        tpu.vector_store_idx %arg7[%parallel_loop3A_234], %parallel_loop3A_231 {add = true} : memref<40000xf32, #tpu.memory_space<vmem>>[vector<16xi32>], vector<16xf32>,
        %parallel_loop3A_235 = arith.constant 10000 : i32
        %parallel_loop3A_236 = vector.broadcast %parallel_loop3A_235 : i32 to vector<16xi32>
        %parallel_loop3A_237 = arith.addi %parallel_loop3A_209, %parallel_loop3A_236 : vector<16xi32>
        %parallel_loop3A_238 = tpu.vector_load_idx %arg6[%parallel_loop3A_237] : memref<40000xf32, #tpu.memory_space<vmem>>[vector<16xi32>], vector<16xf32>,
        %parallel_loop3A_239 = arith.constant 4 : i32
        %parallel_loop3A_240 = arith.muli %select_n3A_11, %parallel_loop3A_239 : i32
        %parallel_loop3A_241 = arith.constant 1 : i32
        %parallel_loop3A_242 = arith.addi %parallel_loop3A_240, %parallel_loop3A_241 : i32
        %parallel_loop3A_243 = arith.constant 16 : i32
        %parallel_loop3A_244 = arith.muli %parallel_loop3A_200, %parallel_loop3A_243 : i32
        %parallel_loop3A_245 = arith.constant 0 : i32
        %parallel_loop3A_246 = arith.index_cast %parallel_loop3A_245 : i32 to index
        %parallel_loop3A_247 = arith.index_cast %parallel_loop3A_242 : i32 to index
        %parallel_loop3A_248 = arith.index_cast %parallel_loop3A_244 : i32 to index
        %parallel_loop3A_249 = tpu.vector_load %arg9[%parallel_loop3A_246, %parallel_loop3A_247, %parallel_loop3A_248] {strides = array<i32>} : memref<2x8x1280xf32, #tpu.memory_space<vmem>>, vector<16xf32>,
        %parallel_loop3A_250 = arith.addf %parallel_loop3A_238, %parallel_loop3A_249 : vector<16xf32>
        %parallel_loop3A_251 = arith.constant 0.000000e+00 : f32
        %parallel_loop3A_252 = vector.broadcast %parallel_loop3A_251 : f32 to vector<16xf32>
        %parallel_loop3A_253 = arith.maximumf %parallel_loop3A_250, %parallel_loop3A_252 : vector<16xf32>
        %parallel_loop3A_254 = arith.constant 10000 : i32
        %parallel_loop3A_255 = vector.broadcast %parallel_loop3A_254 : i32 to vector<16xi32>
        %parallel_loop3A_256 = arith.addi %parallel_loop3A_212, %parallel_loop3A_255 : vector<16xi32>
        tpu.vector_store_idx %arg7[%parallel_loop3A_256], %parallel_loop3A_253 {add = true} : memref<40000xf32, #tpu.memory_space<vmem>>[vector<16xi32>], vector<16xf32>,
        %parallel_loop3A_257 = arith.constant 20000 : i32
        %parallel_loop3A_258 = vector.broadcast %parallel_loop3A_257 : i32 to vector<16xi32>
        %parallel_loop3A_259 = arith.addi %parallel_loop3A_209, %parallel_loop3A_258 : vector<16xi32>
        %parallel_loop3A_260 = tpu.vector_load_idx %arg6[%parallel_loop3A_259] : memref<40000xf32, #tpu.memory_space<vmem>>[vector<16xi32>], vector<16xf32>,
        %parallel_loop3A_261 = arith.constant 4 : i32
        %parallel_loop3A_262 = arith.muli %select_n3A_11, %parallel_loop3A_261 : i32
        %parallel_loop3A_263 = arith.constant 2 : i32
        %parallel_loop3A_264 = arith.addi %parallel_loop3A_262, %parallel_loop3A_263 : i32
        %parallel_loop3A_265 = arith.constant 16 : i32
        %parallel_loop3A_266 = arith.muli %parallel_loop3A_200, %parallel_loop3A_265 : i32
        %parallel_loop3A_267 = arith.constant 0 : i32
        %parallel_loop3A_268 = arith.index_cast %parallel_loop3A_267 : i32 to index
        %parallel_loop3A_269 = arith.index_cast %parallel_loop3A_264 : i32 to index
        %parallel_loop3A_270 = arith.index_cast %parallel_loop3A_266 : i32 to index
        %parallel_loop3A_271 = tpu.vector_load %arg9[%parallel_loop3A_268, %parallel_loop3A_269, %parallel_loop3A_270] {strides = array<i32>} : memref<2x8x1280xf32, #tpu.memory_space<vmem>>, vector<16xf32>,
        %parallel_loop3A_272 = arith.addf %parallel_loop3A_260, %parallel_loop3A_271 : vector<16xf32>
        %parallel_loop3A_273 = arith.constant 0.000000e+00 : f32
        %parallel_loop3A_274 = vector.broadcast %parallel_loop3A_273 : f32 to vector<16xf32>
        %parallel_loop3A_275 = arith.maximumf %parallel_loop3A_272, %parallel_loop3A_274 : vector<16xf32>
        %parallel_loop3A_276 = arith.constant 20000 : i32
        %parallel_loop3A_277 = vector.broadcast %parallel_loop3A_276 : i32 to vector<16xi32>
        %parallel_loop3A_278 = arith.addi %parallel_loop3A_212, %parallel_loop3A_277 : vector<16xi32>
        tpu.vector_store_idx %arg7[%parallel_loop3A_278], %parallel_loop3A_275 {add = true} : memref<40000xf32, #tpu.memory_space<vmem>>[vector<16xi32>], vector<16xf32>,
        %parallel_loop3A_279 = arith.constant 30000 : i32
        %parallel_loop3A_280 = vector.broadcast %parallel_loop3A_279 : i32 to vector<16xi32>
        %parallel_loop3A_281 = arith.addi %parallel_loop3A_209, %parallel_loop3A_280 : vector<16xi32>
        %parallel_loop3A_282 = tpu.vector_load_idx %arg6[%parallel_loop3A_281] : memref<40000xf32, #tpu.memory_space<vmem>>[vector<16xi32>], vector<16xf32>,
        %parallel_loop3A_283 = arith.constant 4 : i32
        %parallel_loop3A_284 = arith.muli %select_n3A_11, %parallel_loop3A_283 : i32
        %parallel_loop3A_285 = arith.constant 3 : i32
        %parallel_loop3A_286 = arith.addi %parallel_loop3A_284, %parallel_loop3A_285 : i32
        %parallel_loop3A_287 = arith.constant 16 : i32
        %parallel_loop3A_288 = arith.muli %parallel_loop3A_200, %parallel_loop3A_287 : i32
        %parallel_loop3A_289 = arith.constant 0 : i32
        %parallel_loop3A_290 = arith.index_cast %parallel_loop3A_289 : i32 to index
        %parallel_loop3A_291 = arith.index_cast %parallel_loop3A_286 : i32 to index
        %parallel_loop3A_292 = arith.index_cast %parallel_loop3A_288 : i32 to index
        %parallel_loop3A_293 = tpu.vector_load %arg9[%parallel_loop3A_290, %parallel_loop3A_291, %parallel_loop3A_292] {strides = array<i32>} : memref<2x8x1280xf32, #tpu.memory_space<vmem>>, vector<16xf32>,
        %parallel_loop3A_294 = arith.addf %parallel_loop3A_282, %parallel_loop3A_293 : vector<16xf32>
        %parallel_loop3A_295 = arith.constant 0.000000e+00 : f32
        %parallel_loop3A_296 = vector.broadcast %parallel_loop3A_295 : f32 to vector<16xf32>
        %parallel_loop3A_297 = arith.maximumf %parallel_loop3A_294, %parallel_loop3A_296 : vector<16xf32>
        %parallel_loop3A_298 = arith.constant 30000 : i32
        %parallel_loop3A_299 = vector.broadcast %parallel_loop3A_298 : i32 to vector<16xi32>
        %parallel_loop3A_300 = arith.addi %parallel_loop3A_212, %parallel_loop3A_299 : vector<16xi32>
        tpu.vector_store_idx %arg7[%parallel_loop3A_300], %parallel_loop3A_297 {add = true} : memref<40000xf32, #tpu.memory_space<vmem>>[vector<16xi32>], vector<16xf32>,
      } {sc.loop_unroll_factor = 16 : i64, sc.parallel_access}
      %add3A_156 = arith.constant 2 : i32
      %add3A_157 = arith.addi %mul3A_81, %add3A_156 : i32
      %lt3A_158 = arith.constant 250 : i32
      %lt3A_159 = arith.cmpi slt, %add3A_157, %lt3A_158 : i32
      %convert_element_type3A = arith.extui %lt3A_159 : i1 to i32
      %cond3A = arith.constant 0 : i32
      %cond3A_160 = arith.cmpi ne, %convert_element_type3A, %cond3A : i32
      scf.if %cond3A_160 {
        %add3A_200 = arith.constant 2 : i32
        %add3A_201 = arith.addi %mul3A_81, %add3A_200 : i32
        %mul3A_202 = arith.constant 1280 : i32
        %mul3A_203 = arith.muli %add3A_201, %mul3A_202 : i32
        %dma_start3A_204 = arith.constant 0 : i32
        %dma_start3A_205 = arith.constant 0 : i32
        %dma_start3A_206 = arith.constant 0 : i32
        %dma_start3A_207 = tpu.memref_slice %arg8[%dma_start3A_204, %dma_start3A_206] : memref<2x1280xi32, #tpu.memory_space<vmem>> -> memref<1x1280xi32, #tpu.memory_space<vmem>>
        %dma_start3A_208 = tpu.memref_squeeze %dma_start3A_207 : memref<1x1280xi32, #tpu.memory_space<vmem>> -> memref<1280xi32, #tpu.memory_space<vmem>>
        %dma_start3A_209 = tpu.memref_slice %arg4[%mul3A_203] : memref<320000xi32, #tpu.memory_space<hbm>> -> memref<1280xi32, #tpu.memory_space<hbm>>
        %dma_start3A_210 = tpu.memref_slice %arg10[%dma_start3A_205] : memref<2x!tpu.dma_semaphore, #tpu.memory_space<semaphore_mem>> -> memref<1x!tpu.dma_semaphore, #tpu.memory_space<semaphore_mem>>
        %dma_start3A_211 = tpu.memref_squeeze %dma_start3A_210 : memref<1x!tpu.dma_semaphore, #tpu.memory_space<semaphore_mem>> -> memref<!tpu.dma_semaphore, #tpu.memory_space<semaphore_mem>>
        %dma_start3A_212 = arith.constant 0 : i32
        %dma_start3A_213 = tpu.memref_slice %arg8[%dma_start3A_204, %dma_start3A_212] : memref<2x1280xi32, #tpu.memory_space<vmem>> -> memref<1x1280xi32, #tpu.memory_space<vmem>>
        %dma_start3A_214 = tpu.memref_squeeze %dma_start3A_213 : memref<1x1280xi32, #tpu.memory_space<vmem>> -> memref<1280xi32, #tpu.memory_space<vmem>>
        %dma_start3A_215 = tpu.memref_slice %arg4[%mul3A_203] : memref<320000xi32, #tpu.memory_space<hbm>> -> memref<1280xi32, #tpu.memory_space<hbm>>
        tpu.enqueue_dma source(%dma_start3A_215 : memref<1280xi32, #tpu.memory_space<hbm>>) target(%dma_start3A_214 : memref<1280xi32, #tpu.memory_space<vmem>>) target_semaphore(%dma_start3A_211 : memref<!tpu.dma_semaphore, #tpu.memory_space<semaphore_mem>>)
        %dma_start3A_216 = arith.constant 0 : i32
        %dma_start3A_217 = arith.constant 0 : i32
        %dma_start3A_218 = arith.constant 0 : i32
        %dma_start3A_219 = arith.constant 0 : i32
        %dma_start3A_220 = tpu.memref_slice %arg9[%dma_start3A_216, %dma_start3A_218, %dma_start3A_219] : memref<2x8x1280xf32, #tpu.memory_space<vmem>> -> memref<1x8x1280xf32, #tpu.memory_space<vmem>>
        %dma_start3A_221 = tpu.memref_squeeze %dma_start3A_220 : memref<1x8x1280xf32, #tpu.memory_space<vmem>> -> memref<8x1280xf32, #tpu.memory_space<vmem>>
        %dma_start3A_222 = arith.constant 0 : i32
        %dma_start3A_223 = arith.constant 0 : i32
        %dma_start3A_224 = tpu.memref_slice %arg3[%add3A_201, %select_n3A_32, %dma_start3A_222, %dma_start3A_223] : memref<250x16x8x1280xf32, #tpu.memory_space<hbm>> -> memref<1x1x8x1280xf32, #tpu.memory_space<hbm>>
        %dma_start3A_225 = tpu.memref_squeeze %dma_start3A_224 : memref<1x1x8x1280xf32, #tpu.memory_space<hbm>> -> memref<8x1280xf32, #tpu.memory_space<hbm>>
        %dma_start3A_226 = tpu.memref_slice %arg10[%dma_start3A_217] : memref<2x!tpu.dma_semaphore, #tpu.memory_space<semaphore_mem>> -> memref<1x!tpu.dma_semaphore, #tpu.memory_space<semaphore_mem>>
        %dma_start3A_227 = tpu.memref_squeeze %dma_start3A_226 : memref<1x!tpu.dma_semaphore, #tpu.memory_space<semaphore_mem>> -> memref<!tpu.dma_semaphore, #tpu.memory_space<semaphore_mem>>
        %dma_start3A_228 = arith.constant 0 : i32
        %dma_start3A_229 = arith.constant 0 : i32
        %dma_start3A_230 = tpu.memref_slice %arg9[%dma_start3A_216, %dma_start3A_228, %dma_start3A_229] : memref<2x8x1280xf32, #tpu.memory_space<vmem>> -> memref<1x8x1280xf32, #tpu.memory_space<vmem>>
        %dma_start3A_231 = tpu.memref_squeeze %dma_start3A_230 : memref<1x8x1280xf32, #tpu.memory_space<vmem>> -> memref<8x1280xf32, #tpu.memory_space<vmem>>
        %dma_start3A_232 = arith.constant 0 : i32
        %dma_start3A_233 = arith.constant 0 : i32
        %dma_start3A_234 = tpu.memref_slice %arg3[%add3A_201, %select_n3A_32, %dma_start3A_232, %dma_start3A_233] : memref<250x16x8x1280xf32, #tpu.memory_space<hbm>> -> memref<1x1x8x1280xf32, #tpu.memory_space<hbm>>
        %dma_start3A_235 = tpu.memref_squeeze %dma_start3A_234 : memref<1x1x8x1280xf32, #tpu.memory_space<hbm>> -> memref<8x1280xf32, #tpu.memory_space<hbm>>
        tpu.enqueue_dma source(%dma_start3A_235 : memref<8x1280xf32, #tpu.memory_space<hbm>>) target(%dma_start3A_231 : memref<8x1280xf32, #tpu.memory_space<vmem>>) target_semaphore(%dma_start3A_227 : memref<!tpu.dma_semaphore, #tpu.memory_space<semaphore_mem>>)
      } else {
      }
      %dma_wait3A_161 = arith.constant 1 : i32
      %dma_wait3A_162 = arith.constant 1 : i32
      %dma_wait3A_163 = arith.constant 0 : i32
      %dma_wait3A_164 = tpu.memref_slice %arg8[%dma_wait3A_161, %dma_wait3A_163] : memref<2x1280xi32, #tpu.memory_space<vmem>> -> memref<1x1280xi32, #tpu.memory_space<vmem>>
      %dma_wait3A_165 = tpu.memref_squeeze %dma_wait3A_164 : memref<1x1280xi32, #tpu.memory_space<vmem>> -> memref<1280xi32, #tpu.memory_space<vmem>>
      %dma_wait3A_166 = arith.constant 0 : i32
      %dma_wait3A_167 = tpu.memref_slice %arg4[%dma_wait3A_166] : memref<320000xi32, #tpu.memory_space<hbm>> -> memref<1280xi32, #tpu.memory_space<hbm>>
      %dma_wait3A_168 = tpu.memref_slice %arg10[%dma_wait3A_162] : memref<2x!tpu.dma_semaphore, #tpu.memory_space<semaphore_mem>> -> memref<1x!tpu.dma_semaphore, #tpu.memory_space<semaphore_mem>>
      %dma_wait3A_169 = tpu.memref_squeeze %dma_wait3A_168 : memref<1x!tpu.dma_semaphore, #tpu.memory_space<semaphore_mem>> -> memref<!tpu.dma_semaphore, #tpu.memory_space<semaphore_mem>>
      %dma_wait3A_170 = arith.constant 0 : i32
      %dma_wait3A_171 = tpu.memref_slice %arg8[%dma_wait3A_161, %dma_wait3A_170] : memref<2x1280xi32, #tpu.memory_space<vmem>> -> memref<1x1280xi32, #tpu.memory_space<vmem>>
      %dma_wait3A_172 = tpu.memref_squeeze %dma_wait3A_171 : memref<1x1280xi32, #tpu.memory_space<vmem>> -> memref<1280xi32, #tpu.memory_space<vmem>>
      %dma_wait3A_173 = arith.constant 0 : i32
      %dma_wait3A_174 = tpu.memref_slice %arg4[%dma_wait3A_173] : memref<320000xi32, #tpu.memory_space<hbm>> -> memref<1280xi32, #tpu.memory_space<hbm>>
      tpu.wait_dma2 semaphore(%dma_wait3A_169 : memref<!tpu.dma_semaphore, #tpu.memory_space<semaphore_mem>>) src(%dma_wait3A_174 : memref<1280xi32, #tpu.memory_space<hbm>>) dst(%dma_wait3A_172 : memref<1280xi32, #tpu.memory_space<vmem>>)
      %dma_wait3A_175 = arith.constant 0 : i32
      %dma_wait3A_176 = arith.constant 0 : i32
      %dma_wait3A_177 = arith.constant 1 : i32
      %dma_wait3A_178 = arith.constant 1 : i32
      %dma_wait3A_179 = arith.constant 0 : i32
      %dma_wait3A_180 = arith.constant 0 : i32
      %dma_wait3A_181 = tpu.memref_slice %arg9[%dma_wait3A_177, %dma_wait3A_179, %dma_wait3A_180] : memref<2x8x1280xf32, #tpu.memory_space<vmem>> -> memref<1x8x1280xf32, #tpu.memory_space<vmem>>
      %dma_wait3A_182 = tpu.memref_squeeze %dma_wait3A_181 : memref<1x8x1280xf32, #tpu.memory_space<vmem>> -> memref<8x1280xf32, #tpu.memory_space<vmem>>
      %dma_wait3A_183 = arith.constant 0 : i32
      %dma_wait3A_184 = arith.constant 0 : i32
      %dma_wait3A_185 = tpu.memref_slice %arg3[%dma_wait3A_175, %dma_wait3A_176, %dma_wait3A_183, %dma_wait3A_184] : memref<250x16x8x1280xf32, #tpu.memory_space<hbm>> -> memref<1x1x8x1280xf32, #tpu.memory_space<hbm>>
      %dma_wait3A_186 = tpu.memref_squeeze %dma_wait3A_185 : memref<1x1x8x1280xf32, #tpu.memory_space<hbm>> -> memref<8x1280xf32, #tpu.memory_space<hbm>>
      %dma_wait3A_187 = tpu.memref_slice %arg10[%dma_wait3A_178] : memref<2x!tpu.dma_semaphore, #tpu.memory_space<semaphore_mem>> -> memref<1x!tpu.dma_semaphore, #tpu.memory_space<semaphore_mem>>
      %dma_wait3A_188 = tpu.memref_squeeze %dma_wait3A_187 : memref<1x!tpu.dma_semaphore, #tpu.memory_space<semaphore_mem>> -> memref<!tpu.dma_semaphore, #tpu.memory_space<semaphore_mem>>
      %dma_wait3A_189 = arith.constant 0 : i32
      %dma_wait3A_190 = arith.constant 0 : i32
      %dma_wait3A_191 = tpu.memref_slice %arg9[%dma_wait3A_177, %dma_wait3A_189, %dma_wait3A_190] : memref<2x8x1280xf32, #tpu.memory_space<vmem>> -> memref<1x8x1280xf32, #tpu.memory_space<vmem>>
      %dma_wait3A_192 = tpu.memref_squeeze %dma_wait3A_191 : memref<1x8x1280xf32, #tpu.memory_space<vmem>> -> memref<8x1280xf32, #tpu.memory_space<vmem>>
      %dma_wait3A_193 = arith.constant 0 : i32
      %dma_wait3A_194 = arith.constant 0 : i32
      %dma_wait3A_195 = tpu.memref_slice %arg3[%dma_wait3A_175, %dma_wait3A_176, %dma_wait3A_193, %dma_wait3A_194] : memref<250x16x8x1280xf32, #tpu.memory_space<hbm>> -> memref<1x1x8x1280xf32, #tpu.memory_space<hbm>>
      %dma_wait3A_196 = tpu.memref_squeeze %dma_wait3A_195 : memref<1x1x8x1280xf32, #tpu.memory_space<hbm>> -> memref<8x1280xf32, #tpu.memory_space<hbm>>
      tpu.wait_dma2 semaphore(%dma_wait3A_188 : memref<!tpu.dma_semaphore, #tpu.memory_space<semaphore_mem>>) src(%dma_wait3A_196 : memref<8x1280xf32, #tpu.memory_space<hbm>>) dst(%dma_wait3A_192 : memref<8x1280xf32, #tpu.memory_space<vmem>>)
      %parallel_loop3A_197 = arith.constant 0 : i32
      %parallel_loop3A_198 = arith.constant 80 : i32
      %parallel_loop3A_199 = arith.constant 1 : i32
      scf.for %parallel_loop3A_200 = %parallel_loop3A_197 to %parallel_loop3A_198 step %parallel_loop3A_199  : i32 {
        %parallel_loop3A_201 = arith.constant 16 : i32
        %parallel_loop3A_202 = arith.muli %parallel_loop3A_200, %parallel_loop3A_201 : i32
        %parallel_loop3A_203 = arith.constant 1 : i32
        %parallel_loop3A_204 = arith.index_cast %parallel_loop3A_203 : i32 to index
        %parallel_loop3A_205 = arith.index_cast %parallel_loop3A_202 : i32 to index
        %parallel_loop3A_206 = tpu.vector_load %arg8[%parallel_loop3A_204, %parallel_loop3A_205] {strides = array<i32>} : memref<2x1280xi32, #tpu.memory_space<vmem>>, vector<16xi32>,
        %parallel_loop3A_207 = arith.constant 16383 : i32
        %parallel_loop3A_208 = vector.broadcast %parallel_loop3A_207 : i32 to vector<16xi32>
        %parallel_loop3A_209 = arith.andi %parallel_loop3A_206, %parallel_loop3A_208 : vector<16xi32>
        %parallel_loop3A_210 = arith.constant 14 : i32
        %parallel_loop3A_211 = vector.broadcast %parallel_loop3A_210 : i32 to vector<16xi32>
        %parallel_loop3A_212 = arith.shrsi %parallel_loop3A_206, %parallel_loop3A_211 : vector<16xi32>
        %parallel_loop3A_213 = arith.constant 0 : i32
        %parallel_loop3A_214 = vector.broadcast %parallel_loop3A_213 : i32 to vector<16xi32>
        %parallel_loop3A_215 = arith.addi %parallel_loop3A_209, %parallel_loop3A_214 : vector<16xi32>
        %parallel_loop3A_216 = tpu.vector_load_idx %arg6[%parallel_loop3A_215] : memref<40000xf32, #tpu.memory_space<vmem>>[vector<16xi32>], vector<16xf32>,
        %parallel_loop3A_217 = arith.constant 4 : i32
        %parallel_loop3A_218 = arith.muli %select_n3A_11, %parallel_loop3A_217 : i32
        %parallel_loop3A_219 = arith.constant 0 : i32
        %parallel_loop3A_220 = arith.addi %parallel_loop3A_218, %parallel_loop3A_219 : i32
        %parallel_loop3A_221 = arith.constant 16 : i32
        %parallel_loop3A_222 = arith.muli %parallel_loop3A_200, %parallel_loop3A_221 : i32
        %parallel_loop3A_223 = arith.constant 1 : i32
        %parallel_loop3A_224 = arith.index_cast %parallel_loop3A_223 : i32 to index
        %parallel_loop3A_225 = arith.index_cast %parallel_loop3A_220 : i32 to index
        %parallel_loop3A_226 = arith.index_cast %parallel_loop3A_222 : i32 to index
        %parallel_loop3A_227 = tpu.vector_load %arg9[%parallel_loop3A_224, %parallel_loop3A_225, %parallel_loop3A_226] {strides = array<i32>} : memref<2x8x1280xf32, #tpu.memory_space<vmem>>, vector<16xf32>,
        %parallel_loop3A_228 = arith.addf %parallel_loop3A_216, %parallel_loop3A_227 : vector<16xf32>
        %parallel_loop3A_229 = arith.constant 0.000000e+00 : f32
        %parallel_loop3A_230 = vector.broadcast %parallel_loop3A_229 : f32 to vector<16xf32>
        %parallel_loop3A_231 = arith.maximumf %parallel_loop3A_228, %parallel_loop3A_230 : vector<16xf32>
        %parallel_loop3A_232 = arith.constant 0 : i32
        %parallel_loop3A_233 = vector.broadcast %parallel_loop3A_232 : i32 to vector<16xi32>
        %parallel_loop3A_234 = arith.addi %parallel_loop3A_212, %parallel_loop3A_233 : vector<16xi32>
        tpu.vector_store_idx %arg7[%parallel_loop3A_234], %parallel_loop3A_231 {add = true} : memref<40000xf32, #tpu.memory_space<vmem>>[vector<16xi32>], vector<16xf32>,
        %parallel_loop3A_235 = arith.constant 10000 : i32
        %parallel_loop3A_236 = vector.broadcast %parallel_loop3A_235 : i32 to vector<16xi32>
        %parallel_loop3A_237 = arith.addi %parallel_loop3A_209, %parallel_loop3A_236 : vector<16xi32>
        %parallel_loop3A_238 = tpu.vector_load_idx %arg6[%parallel_loop3A_237] : memref<40000xf32, #tpu.memory_space<vmem>>[vector<16xi32>], vector<16xf32>,
        %parallel_loop3A_239 = arith.constant 4 : i32
        %parallel_loop3A_240 = arith.muli %select_n3A_11, %parallel_loop3A_239 : i32
        %parallel_loop3A_241 = arith.constant 1 : i32
        %parallel_loop3A_242 = arith.addi %parallel_loop3A_240, %parallel_loop3A_241 : i32
        %parallel_loop3A_243 = arith.constant 16 : i32
        %parallel_loop3A_244 = arith.muli %parallel_loop3A_200, %parallel_loop3A_243 : i32
        %parallel_loop3A_245 = arith.constant 1 : i32
        %parallel_loop3A_246 = arith.index_cast %parallel_loop3A_245 : i32 to index
        %parallel_loop3A_247 = arith.index_cast %parallel_loop3A_242 : i32 to index
        %parallel_loop3A_248 = arith.index_cast %parallel_loop3A_244 : i32 to index
        %parallel_loop3A_249 = tpu.vector_load %arg9[%parallel_loop3A_246, %parallel_loop3A_247, %parallel_loop3A_248] {strides = array<i32>} : memref<2x8x1280xf32, #tpu.memory_space<vmem>>, vector<16xf32>,
        %parallel_loop3A_250 = arith.addf %parallel_loop3A_238, %parallel_loop3A_249 : vector<16xf32>
        %parallel_loop3A_251 = arith.constant 0.000000e+00 : f32
        %parallel_loop3A_252 = vector.broadcast %parallel_loop3A_251 : f32 to vector<16xf32>
        %parallel_loop3A_253 = arith.maximumf %parallel_loop3A_250, %parallel_loop3A_252 : vector<16xf32>
        %parallel_loop3A_254 = arith.constant 10000 : i32
        %parallel_loop3A_255 = vector.broadcast %parallel_loop3A_254 : i32 to vector<16xi32>
        %parallel_loop3A_256 = arith.addi %parallel_loop3A_212, %parallel_loop3A_255 : vector<16xi32>
        tpu.vector_store_idx %arg7[%parallel_loop3A_256], %parallel_loop3A_253 {add = true} : memref<40000xf32, #tpu.memory_space<vmem>>[vector<16xi32>], vector<16xf32>,
        %parallel_loop3A_257 = arith.constant 20000 : i32
        %parallel_loop3A_258 = vector.broadcast %parallel_loop3A_257 : i32 to vector<16xi32>
        %parallel_loop3A_259 = arith.addi %parallel_loop3A_209, %parallel_loop3A_258 : vector<16xi32>
        %parallel_loop3A_260 = tpu.vector_load_idx %arg6[%parallel_loop3A_259] : memref<40000xf32, #tpu.memory_space<vmem>>[vector<16xi32>], vector<16xf32>,
        %parallel_loop3A_261 = arith.constant 4 : i32
        %parallel_loop3A_262 = arith.muli %select_n3A_11, %parallel_loop3A_261 : i32
        %parallel_loop3A_263 = arith.constant 2 : i32
        %parallel_loop3A_264 = arith.addi %parallel_loop3A_262, %parallel_loop3A_263 : i32
        %parallel_loop3A_265 = arith.constant 16 : i32
        %parallel_loop3A_266 = arith.muli %parallel_loop3A_200, %parallel_loop3A_265 : i32
        %parallel_loop3A_267 = arith.constant 1 : i32
        %parallel_loop3A_268 = arith.index_cast %parallel_loop3A_267 : i32 to index
        %parallel_loop3A_269 = arith.index_cast %parallel_loop3A_264 : i32 to index
        %parallel_loop3A_270 = arith.index_cast %parallel_loop3A_266 : i32 to index
        %parallel_loop3A_271 = tpu.vector_load %arg9[%parallel_loop3A_268, %parallel_loop3A_269, %parallel_loop3A_270] {strides = array<i32>} : memref<2x8x1280xf32, #tpu.memory_space<vmem>>, vector<16xf32>,
        %parallel_loop3A_272 = arith.addf %parallel_loop3A_260, %parallel_loop3A_271 : vector<16xf32>
        %parallel_loop3A_273 = arith.constant 0.000000e+00 : f32
        %parallel_loop3A_274 = vector.broadcast %parallel_loop3A_273 : f32 to vector<16xf32>
        %parallel_loop3A_275 = arith.maximumf %parallel_loop3A_272, %parallel_loop3A_274 : vector<16xf32>
        %parallel_loop3A_276 = arith.constant 20000 : i32
        %parallel_loop3A_277 = vector.broadcast %parallel_loop3A_276 : i32 to vector<16xi32>
        %parallel_loop3A_278 = arith.addi %parallel_loop3A_212, %parallel_loop3A_277 : vector<16xi32>
        tpu.vector_store_idx %arg7[%parallel_loop3A_278], %parallel_loop3A_275 {add = true} : memref<40000xf32, #tpu.memory_space<vmem>>[vector<16xi32>], vector<16xf32>,
        %parallel_loop3A_279 = arith.constant 30000 : i32
        %parallel_loop3A_280 = vector.broadcast %parallel_loop3A_279 : i32 to vector<16xi32>
        %parallel_loop3A_281 = arith.addi %parallel_loop3A_209, %parallel_loop3A_280 : vector<16xi32>
        %parallel_loop3A_282 = tpu.vector_load_idx %arg6[%parallel_loop3A_281] : memref<40000xf32, #tpu.memory_space<vmem>>[vector<16xi32>], vector<16xf32>,
        %parallel_loop3A_283 = arith.constant 4 : i32
        %parallel_loop3A_284 = arith.muli %select_n3A_11, %parallel_loop3A_283 : i32
        %parallel_loop3A_285 = arith.constant 3 : i32
        %parallel_loop3A_286 = arith.addi %parallel_loop3A_284, %parallel_loop3A_285 : i32
        %parallel_loop3A_287 = arith.constant 16 : i32
        %parallel_loop3A_288 = arith.muli %parallel_loop3A_200, %parallel_loop3A_287 : i32
        %parallel_loop3A_289 = arith.constant 1 : i32
        %parallel_loop3A_290 = arith.index_cast %parallel_loop3A_289 : i32 to index
        %parallel_loop3A_291 = arith.index_cast %parallel_loop3A_286 : i32 to index
        %parallel_loop3A_292 = arith.index_cast %parallel_loop3A_288 : i32 to index
        %parallel_loop3A_293 = tpu.vector_load %arg9[%parallel_loop3A_290, %parallel_loop3A_291, %parallel_loop3A_292] {strides = array<i32>} : memref<2x8x1280xf32, #tpu.memory_space<vmem>>, vector<16xf32>,
        %parallel_loop3A_294 = arith.addf %parallel_loop3A_282, %parallel_loop3A_293 : vector<16xf32>
        %parallel_loop3A_295 = arith.constant 0.000000e+00 : f32
        %parallel_loop3A_296 = vector.broadcast %parallel_loop3A_295 : f32 to vector<16xf32>
        %parallel_loop3A_297 = arith.maximumf %parallel_loop3A_294, %parallel_loop3A_296 : vector<16xf32>
        %parallel_loop3A_298 = arith.constant 30000 : i32
        %parallel_loop3A_299 = vector.broadcast %parallel_loop3A_298 : i32 to vector<16xi32>
        %parallel_loop3A_300 = arith.addi %parallel_loop3A_212, %parallel_loop3A_299 : vector<16xi32>
        tpu.vector_store_idx %arg7[%parallel_loop3A_300], %parallel_loop3A_297 {add = true} : memref<40000xf32, #tpu.memory_space<vmem>>[vector<16xi32>], vector<16xf32>,
      } {sc.loop_unroll_factor = 16 : i64, sc.parallel_access}
    }
    %scan3A_76 = arith.constant 125 : i32
    %mul3A_77 = arith.constant 10000 : i32
    %mul3A_78 = arith.muli %mul3A_2, %mul3A_77 : i32
    "tpu.region"() ({
      %run_scoped3A = tpu.sem_alloc : memref<!tpu.dma_semaphore, #tpu.memory_space<semaphore_mem>>
      %dma_start3A_79 = tpu.memref_slice %arg5[%mul3A_78] : memref<1280000xf32, #tpu.memory_space<hbm>> -> memref<40000xf32, #tpu.memory_space<hbm>>
      %dma_start3A_80 = tpu.memref_slice %arg5[%mul3A_78] : memref<1280000xf32, #tpu.memory_space<hbm>> -> memref<40000xf32, #tpu.memory_space<hbm>>
      tpu.enqueue_dma source(%arg7 : memref<40000xf32, #tpu.memory_space<vmem>>) target(%dma_start3A_80 : memref<40000xf32, #tpu.memory_space<hbm>>) target_semaphore(%run_scoped3A : memref<!tpu.dma_semaphore, #tpu.memory_space<semaphore_mem>>)
      %dma_wait3A = tpu.memref_slice %arg5[%mul3A_78] : memref<1280000xf32, #tpu.memory_space<hbm>> -> memref<40000xf32, #tpu.memory_space<hbm>>
      %dma_wait3A_81 = tpu.memref_slice %arg5[%mul3A_78] : memref<1280000xf32, #tpu.memory_space<hbm>> -> memref<40000xf32, #tpu.memory_space<hbm>>
      tpu.wait_dma2 semaphore(%run_scoped3A : memref<!tpu.dma_semaphore, #tpu.memory_space<semaphore_mem>>) src(%arg7 : memref<40000xf32, #tpu.memory_space<vmem>>) dst(%dma_wait3A_81 : memref<40000xf32, #tpu.memory_space<hbm>>)
      tpu.yield
    }) : () -> ()
    return
  }
}

</mosaic_0001>

<sc_bundles>
// kernel: _msgpass.3.cloned.1.call-start
scs
__scs_entry_jumppad:
0x0: {  	(pc) =	sbr.rel $0x88, $3  }
0x1: {  	(tag) =	ssettag $0x0;
	lr =	simm.s32 $0x1  }
0x2: {  	[smem:$0x3F9E] =	sst lr;
	_ =	strace $0xD0000000  }
0x3: {  	_ = 	snop  }
0x4: {  	_ = 	snop  }
0x5: {  	_ = 	snop  }
0x6: {  	_ = 	snop  }
0x7: {  	_ = 	snop  }
__scs_overlays_trampoline_lowered:
0x8: {  	[smem:$0x3FAD] =	sst s0  }
0x9: {  	[smem:$0x3FAE] =	sst s1  }
0xa: {  	[smem:$0x3FAF] =	sst s2  }
0xb: {  	[smem:$0x3FB0] =	sst s3  }
0xc: {  	[smem:$0x3FB1] =	sst s4  }
0xd: {  	[smem:$0x3FB2] =	sst s5  }
0xe: {  	[smem:$0x3FB3] =	sst s6  }
0xf: {  	[smem:$0x3FB4] =	sst s7  }
0x10: {  	[smem:$0x3FB5] =	sst s8  }
0x11: {  	[smem:$0x3FB6] =	sst s9;
	s0 =	simm.s32 @!p0 $0x0  }
0x12: {  	s1 =	sld [smem:$0x3F9C];
	s0 =	simm.s32 @p0 $0x1  }
0x13: {  	[smem:$0x3FB7] =	sst s0;
	s0 =	simm.s32 @!p1 $0x0  }
0x14: {  	s2 =	sld [smem:$0x3F9B];
	s0 =	simm.s32 @p1 $0x1  }
0x15: {  	[smem:$0x3FB8] =	sst s0;
	s0 =	simm.s32 @!p2 $0x0  }
0x16: {  	s3 =	sld [smem:$0x3FDB];
	s0 =	simm.s32 @p2 $0x1  }
0x17: {  	s4 =	simm.s32 $0x1BF5;
	[smem:$0x3FBA] =	sst s0  }
0x18: {  	s0 =	sld [smem:$0x3F9D];
	_ =	swait.ge [sflag:s4], $0x0  }
0x19: {  	s7 =	sld [smem:$0x3F9E]  }
0x1a: {  	s8 =	sadd.s32 $0xFFFFE003, lr  }
0x1b: {  	s9 =	sadd.s32 $0xFFFFFEF7, lr;
	s5 =	simm.s32 $0xFFFFFFFF;
	p2 =	slt.u32 s8, $0xFFFFF086  }
0x1c: {  	p1 =	slt.u32 s9, $0xF7A;
	s5 =	simm.s32 @!p2 $0x0  }
0x1d: {  	s5 =	simm.s32 @p1 $0x1;
	p0 =	seq.s32 s7, s2  }
0x1e: {  	s7 =	smul.u32 @!p0 $0xF7A, s2;
	p2 =	seq.s32 @!p0 s5, $0x0  }
0x1f: {  	s9 =	smul.u32 $0xF7A, s1;
	s8 =	simm.s32 @!p0 $0x1BF5;
	p2 =	por !p2, p0  }
0x20: {  	[sflag:s8] =	ssyncset.s32 @!p0 $0xFFFFF086;
	s6 =	sadd.s32 @!p0 s3, s7;
	s7 =	simm.s32 @!p0 $0x108  }
0x21: {  	s3 =	sadd.s32 s3, s9;
	s6 =	sadd.s32 @!p0 $0x88, s6;
	s7 =	simm.s32 @p2 $0x1082  }
0x22: {  	[simem:s7], [sflag:s8] =	dma.local @!p0 [hbm:s6], $0xF7A  }
0x23: {  	s9 =	sor.u32 $0xD0000000, s2;
	s6 =	simm.s32 $0x108;
	_ =	swait.ge @!p0 [sflag:s8], $0x0  }
0x24: {  	s3 =	sadd.s32 $0x88, s3;
	s6 =	simm.s32 @!p1 $0x1082;
	[sflag:s4] =	ssyncset.s32 $0xFFFFF086  }
0x25: {  	[simem:s6], [sflag:s4] =	dma.local [hbm:s3], $0xF7A  }
0x26: {  	[smem:$0x3F9E] =	sst s1;
	(tag) =	ssettag s2;
	_ =	strace s9  }
0x27: {  	s1 =	sld [smem:$0x3FAE]  }
0x28: {  	s2 =	sld [smem:$0x3FAF]  }
0x29: {  	s4 =	sld [smem:$0x3FB1]  }
0x2a: {  	p0 =	seq.s32 s5, $0x0;
	s5 =	sld [smem:$0x3FB2]  }
0x2b: {  	s6 =	sld [smem:$0x3FB3]  }
0x2c: {  	s7 =	sld [smem:$0x3FB4]  }
0x2d: {  	s3 =	simm.s32 $0x108;
	s8 =	sld [smem:$0x3FB5]  }
0x2e: {  	s3 =	simm.s32 @!p0 $0x1082;
	s9 =	sld [smem:$0x3FB6]  }
0x2f: {  	lr =	sadd.s32 s0, s3;
	s0 =	sld [smem:$0x3FAD]  }
0x30: {  	s3 =	sld [smem:$0x3FB0]  }
0x31: {  	[smem:$0x3FB9] =	sst s10  }
0x32: {  	s10 =	sld [smem:$0x3FB7];
	_ =	sdelay $0x3  }
0x33: {  	p0 =	seq.s32 s10, $0x1;
	s10 =	sld [smem:$0x3FB9];
	_ =	sdelay $0x3  }
0x34: {  	[smem:$0x3FB9] =	sst s10  }
0x35: {  	s10 =	sld [smem:$0x3FB8];
	_ =	sdelay $0x3  }
0x36: {  	p1 =	seq.s32 s10, $0x1;
	s10 =	sld [smem:$0x3FB9];
	_ =	sdelay $0x3  }
0x37: {  	[smem:$0x3FB9] =	sst s10  }
0x38: {  	s10 =	sld [smem:$0x3FBA]  }
0x39: {  	_ = 	snop;
	(pc) =	sbr.ind lr, $3  }
0x3a: {  	_ = 	snop  }
0x3b: {  	_ = 	snop  }
0x3c: {  	p2 =	seq.s32 s10, $0x1;
	s10 =	sld [smem:$0x3FB9]  }
0x3d: {  	_ =	shalt  }
0x3e: {  	_ =	shalt  }
0x3f: {  	_ =	shalt  }
0x40: {  	_ =	shalt  }
0x41: {  	_ =	shalt  }
0x42: {  	_ =	shalt  }
0x43: {  	_ =	shalt  }
0x44: {  	_ =	shalt  }
0x45: {  	_ =	shalt  }
0x46: {  	_ =	shalt  }
0x47: {  	_ =	shalt  }
0x48: {  	_ =	shalt  }
0x49: {  	_ =	shalt  }
0x4a: {  	_ =	shalt  }
0x4b: {  	_ =	shalt  }
0x4c: {  	_ =	shalt  }
0x4d: {  	_ =	shalt  }
0x4e: {  	_ =	shalt  }
0x4f: {  	_ =	shalt  }
0x50: {  	_ =	shalt  }
0x51: {  	_ =	shalt  }
0x52: {  	_ =	shalt  }
0x53: {  	_ =	shalt  }
0x54: {  	_ =	shalt  }
0x55: {  	_ =	shalt  }
0x56: {  	_ =	shalt  }
0x57: {  	_ =	shalt  }
0x58: {  	_ =	shalt  }
0x59: {  	_ =	shalt  }
0x5a: {  	_ =	shalt  }
0x5b: {  	_ =	shalt  }
0x5c: {  	_ =	shalt  }
0x5d: {  	_ =	shalt  }
0x5e: {  	_ =	shalt  }
0x5f: {  	_ =	shalt  }
0x60: {  	_ =	shalt  }
0x61: {  	_ =	shalt  }
0x62: {  	_ =	shalt  }
0x63: {  	_ =	shalt  }
0x64: {  	_ =	shalt  }
0x65: {  	_ =	shalt  }
0x66: {  	_ =	shalt  }
0x67: {  	_ =	shalt  }
0x68: {  	_ =	shalt  }
0x69: {  	_ =	shalt  }
0x6a: {  	_ =	shalt  }
0x6b: {  	_ =	shalt  }
0x6c: {  	_ =	shalt  }
0x6d: {  	_ =	shalt  }
0x6e: {  	_ =	shalt  }
0x6f: {  	_ =	shalt  }
0x70: {  	_ =	shalt  }
0x71: {  	_ =	shalt  }
0x72: {  	_ =	shalt  }
0x73: {  	_ =	shalt  }
0x74: {  	_ =	shalt  }
0x75: {  	_ =	shalt  }
0x76: {  	_ =	shalt  }
0x77: {  	_ =	shalt  }
0x78: {  	_ =	shalt  }
0x79: {  	_ =	shalt  }
0x7a: {  	_ =	shalt  }
0x7b: {  	_ =	shalt  }
0x7c: {  	_ =	shalt  }
0x7d: {  	_ =	shalt  }
0x7e: {  	_ =	shalt  }
0x7f: {  	_ =	shalt  }
0x80: {  	_ =	shalt  }
0x81: {  	_ =	shalt  }
0x82: {  	_ =	shalt  }
0x83: {  	_ =	shalt  }
0x84: {  	_ =	shalt  }
0x85: {  	_ =	shalt  }
0x86: {  	_ =	shalt  }
0x87: {  	_ =	shalt  }
.Lfunc_end0:
.L_simem_size_0:
called_computation_lowered:
.L_overlay_start_0:
0x88: {  	s2 =	sld [smem:$0x3FD9]  }
0x89: {  	s3 =	sld [smem:$0x3FFE];
	_ =	sdelay $0x1  }
0x8a: {  	s1 =	srdreg.scid  }
0x8b: {  	s0 =	sand.u32 $0x1, s1  }
0x8c: {  	s18 =	sshll.u32 s0, $0xA;
	s2 =	sadd.s32 s3, s2  }
0x8d: {  	s2 =	sadd.s32 s2, s18  }
0x8e: {  	[smem:$0x3FC5] =	sst s2  }
0x8f: {  	_ = 	snop  }
0x90: {  	s2 =	sld [smem:$0x3FC9]  }
0x91: {  	s19 =	sld [smem:$0x3FC8]  }
0x92: {  	s4 =	sld [smem:$0x3FC7]  }
0x93: {  	s5 =	sld [smem:$0x3FD0];
	(tm) =	ssettm $0x1  }
0x94: {  	s6 =	sld [smem:$0x3FFB];
	_ =	sdelay $0x3  }
0x95: {  	_ =	strace s6  }
0x96: {  	s6 =	sld [smem:$0x3FFC];
	_ =	sdelay $0x3  }
0x97: {  	_ =	strace s6  }
0x98: {  	s6 =	sld [smem:$0x3FFD];
	_ =	sdelay $0x3  }
0x99: {  	_ =	strace s6  }
0x9a: {  	_ =	strace $0x8FFFFFFF  }
0x9b: {  	s20 =	sld [smem:$0x3FDB];
	_ =	sdelay $0x1  }
0x9c: {  	s7 =	simm.s32 $_scs_section_size  }
0x9d: {  	s8 =	simm.s32 $_size__tile_overlayer_lowered;
	s9 =	simm.s32 $_tile_overlayer_lowered  }
0x9e: {  	s23 =	simm.s32 $0x1BFF;
	s22 =	sshll.u32 s9, $0x1;
	s6 =	sadd.s32 s7, s20  }
0x9f: {  	s10 =	simm.s32 $0x0;
	s21 =	sshll.u32 s8, $0x1;
	s8 =	sadd.s32 s22, s6  }
0xa0: {  	[timem:s10], [sflag:s23] =	dma.local [hbm:s8], s21  }
0xa1: {  	_ =	swait.ge [sflag:s23], s21  }
0xa2: {  	s7 =	ssub.s32 $0x0, s21;
	[sflag:s23] =	ssyncset.done $0x0  }
0xa3: {  	[sflag:s23] =	ssyncadd.s32 s7;
	_ =	sdelay $0x1  }
0xa4: {  	s24 =	simm.s32 $0x1B8B  }
0xa5: {  	_ =	swait.ge [sflag:s24], $0x1  }
0xa6: {  	[sflag:s24] =	ssyncset.done $0x0  }
0xa7: {  	s25 =	simm.s32 $0x1B8E;
	[sflag:s24] =	ssyncadd.s32 $0xFFFFFFFF  }
0xa8: {  	s26 =	simm.s32 $execute0_lowered;
	[smem:$0x3FD2] =	sst s25  }
0xa9: {  	s7 =	sshll.u32 s26, $0x1;
	_ =	strace $0x80000046;
	[dreg:$0x1] =	wrdreg $0xFFFFFFFF  }
0xaa: {  	s28 =	simm.s32 $_size_execute0_lowered;
	s6 =	sadd.s32 s6, s7;
	[dreg:$0x0] =	wrdreg $0x0  }
0xab: {  	s7 =	sshll.u32 s28, $0x1;
	[dreg:$0x2] =	wrdreg s6  }
0xac: {  	[dreg:$0x3] =	wrdreg s7  }
0xad: {  	[dreg:$0x4] =	wrdreg $0xC0  }
0xae: {  	_ =	task [dreg:s10], $0x5FFFF  }
0xaf: {  	[dreg:$0x1] =	wrdreg $0xFFFFFFFF  }
0xb0: {  	[dreg:$0x0] =	wrdreg $0x60  }
0xb1: {  	[dreg:$0x2] =	wrdreg s2  }
0xb2: {  	[dreg:$0x3] =	wrdreg s19  }
0xb3: {  	[dreg:$0x4] =	wrdreg s4  }
0xb4: {  	[dreg:$0x5] =	wrdreg s5  }
0xb5: {  	[dreg:$0x6] =	wrdreg $0x9  }
0xb6: {  	_ =	task.clear_ibuf [dreg:s10], $0x7FFFF;
	_ =	strace $0x90000046  }
0xb7: {  	s29 =	simm.s32 $0x9;
	_ =	strace $0x80000048  }
0xb8: {  	_ =	swait.ge [sflag:s29], $0x1  }
0xb9: {  	[sflag:s29] =	ssyncadd.s32 $0xFFFFFFFF  }
0xba: {  	_ =	strace $0x90000048  }
0xbb: {  	_ =	sfence  }
0xbc: {  	s30 =	sld [smem:$0x0];
	_ =	sdelay $0x2  }
0xbd: {  	s31 =	sshll.u32 s1, $0xD;
	s1 =	sshrl.u32 s1, $0x2  }
0xbe: {  	s3 =	sand.u32 $0x4000, s31;
	s1 =	sadd.s32 s1, s30  }
0xbf: {  	s0 =	sor.u32 s3, s0;
	s1 =	sshll.u32 s1, $0x11  }
0xc0: {  	s0 =	sor.u32 s1, s0  }
0xc1: {  	s0 =	sadd.s32 $0x8F2B, s0  }
0xc2: {  	[sflag:s0] =	ssyncadd.remote.s32 $0x1  }
0xc3: {  	_ =	sfence.sel $0xFFFF  }
0xc4: {  	[dreg:$0x0] =	wrdreg $0xFFFFFFFF;
	(pc) =	sbr.abs _section_cstart, $3  }
0xc5: {  	[dreg:$0x1] =	wrdreg $0xFFFFFFFF  }
0xc6: {  	_ =	task.clear_ibuf [dreg:s10], $0x2FFFF;
	_ =	strace $0x9FFFFFFF  }
0xc7: {  	(tm) =	ssettm $0x7FFFFFFF  }
tec
execute0_lowered:
.L_overlay_start_1:
0x0: {  	(tag) =	ssettag $0x1  }
0x1: {  	s0 =	srdreg.scid  }
0x2: {  	s3 =	stileid.u32;
	s8 =	rddreg [dreg:$0x0]  }
0x3: {  	s5 =	simm.s32 $0x1;
	s9 =	rddreg [dreg:$0x3];
	s4 =	simm.s32 $0x0  }
0x4: {  	s28 =	simm.s32 $0x13C80;
	s29 =	simm.s32 $0x13D80;
	s30 =	simm.s32 $0x13E80  }
0x5: {  	s31 =	simm.s32 $0x13F80;
	s0 =	sand.u32 $0x1, s0;
	s7 =	sand.u32 $0x1, s3  }
0x6: {  	[smem:$0x7FF] =	sst s4;
	s1 =	sshll.u32 s0, $0x4;
	p0 =	seq.s32 s7, $0x1  }
0x7: {  	s0 =	ssub.s32 $0x2, s0;
	s2 =	sor.u32 s3, s1;
	s1 =	rddreg [dreg:$0x1]  }
0x8: {  	s26 =	sshll.u32 s7, $0x9;
	s7 =	simm.s32 $0x16B00;
	s3 =	rddreg [dreg:$0x2]  }
0x9: {  	_ =	strace $0x80000047;
	s18 =	sshrl.u32 s0, $0x1;
	s15 =	sadd.s32 $0x14700, s26  }
0xa: {  	p1 =	seq.s32 s2, $0x0;
	s6 =	sshrl.u32 s2, $0x1;
	s20 =	sadd.s32 $0x10, s3  }
0xb: {  	s2 =	smul.u32 $0x1388, s2;
	s21 =	sadd.s32 $0x20, s3;
	[dreg:$0x9] =	wrdreg s20  }
0xc: {  	s0 =	ssub.s32 s0, s18;
	s22 =	sadd.s32 $0x30, s3;
	[dreg:$0xa] =	wrdreg s21  }
0xd: {  	s23 =	sadd.s32 $0x40, s3;
	s24 =	sadd.s32 $0x50, s3;
	[dreg:$0xb] =	wrdreg s22  }
0xe: {  	s25 =	sadd.s32 $0x60, s3;
	s17 =	sadd.s32 $0x70, s3;
	[dreg:$0xc] =	wrdreg s23  }
0xf: {  	s18 =	sadd.s32 $0x80, s3;
	p0 =	por !p1, !p0;
	[dreg:$0xd] =	wrdreg s24  }
0x10: {  	s0 =	smax.u32 s0, $0x1;
	[dreg:$0xe] =	wrdreg s25;
	s21 =	sor.u32 $0x170F0, s26  }
0x11: {  	s22 =	simm.s32 $0x3;
	s24 =	simm.s32 $0x13980;
	p0 =	por !p0, !p0  }
0x12: {  	s25 =	simm.s32 $0x13A80;
	s26 =	simm.s32 $0x13B80;
	s5 =	simm.s32 @!p0 $0x0  }
0x13: {  	s23 =	simm.s32 $0x14280;
	s8 =	sadd.s32 s8, s2;
	s5 =	ssub.s32 s6, s5  }
0x14: {  	s2 =	sadd.s32 s9, s2;
	[dreg:$0x8] =	wrdreg s0;
	s5 =	smul.u32 $0x2800, s5  }
0x15: {  	s0 =	simm.s32 $0x14180;
	s9 =	simm.s32 $0x2;
	[dreg:$0x5] =	wrdreg s8  }
0x16: {  	[dreg:$0x7] =	wrdreg s2;
	s2 =	simm.s32 $0x14080;
	s10 =	sshrl.u32 s5, $0x3  }
0x17: {  	s8 =	simm.s32 $0x9C80;
	s6 =	simm.s32 $0x1;
	s19 =	sadd.s32 s1, s10  }
0x18: {  	v0 =	vimm.f32 $0.0e+00;
	s10 =	simm.s32 $0x0;
	[dreg:$0x6] =	wrdreg s19;
	s19 =	sadd.s32 $0x90, s3  }
.LBB2_1:
0x19: {  	s11 =	rddreg [dreg:$0x5]  }
0x1a: {  	[tilespmem:s4], [sflag:$0x3] =	stream.linear.gather [hbm4b:s11+s4], $0x9C40, $0x38;
	[tilespmem:$0x19300] =	vst v63  }
0x1b: {  	_ =	swait.ge [sflag:s22], $0x9C40  }
0x1c: {  	[sflag:s22] =	ssyncset.done $0x0  }
0x1d: {  	s12 =	simm.s32 $0x0;
	s11 =	simm.s32 $0x40;
	[sflag:s22] =	ssyncadd.s32 $0xFFFF63C0  }
.LBB2_2:
0x1e: {  	p0 =	sne.s32 s11, $0x270C0;
	[tilespmem:s12+$0x9C80] =	vst v0;
	s12 =	smov.u32 s11;
	s11 =	sadd.s32 $0x40, s11  }
.Ltmp0:
0x1f: {  	(pc) =	sbr.rel @p0 .LBB2_2-.Ltmp0, $2  }
0x20: {  	_ =	sdelay $0x2  }
0x21: {  	s12 =	sshra.s32 s12, $0x2  }
0x22: {  	[tilespmem:s12+$0x9C80] =	vst v0;
	s11 =	simm.s32 $0x0;
	s16 =	simm.s32 $0x13900  }
0x23: {  	[tilespmem:s16], [sflag:$0x1] =	stream.linear.gather [hbm4b:s3+s11], $0x80, $0x38;
	[tilespmem:$0x19300] =	vst v63  }
0x24: {  	s13 =	simm.s32 $0x13A00;
	s20 =	rddreg [dreg:$0x9]  }
0x25: {  	[tilespmem:s13], [sflag:$0x1] =	stream.linear.gather [hbm4b:s20+s11], $0x80, $0x38;
	[tilespmem:$0x19300] =	vst v63  }
0x26: {  	s14 =	simm.s32 $0x13B00;
	s13 =	rddreg [dreg:$0xa]  }
0x27: {  	[tilespmem:s14], [sflag:$0x1] =	stream.linear.gather [hbm4b:s13+s11], $0x80, $0x38;
	[tilespmem:$0x19300] =	vst v63  }
0x28: {  	s16 =	rddreg [dreg:$0xb];
	s20 =	simm.s32 $0x13C00  }
0x29: {  	[tilespmem:s20], [sflag:$0x1] =	stream.linear.gather [hbm4b:s16+s11], $0x80, $0x38;
	[tilespmem:$0x19300] =	vst v63  }
0x2a: {  	s13 =	rddreg [dreg:$0xc];
	s14 =	simm.s32 $0x13D00  }
0x2b: {  	[tilespmem:s14], [sflag:$0x1] =	stream.linear.gather [hbm4b:s13+s11], $0x80, $0x38;
	[tilespmem:$0x19300] =	vst v63  }
0x2c: {  	s16 =	rddreg [dreg:$0xd];
	s20 =	simm.s32 $0x13E00  }
0x2d: {  	[tilespmem:s20], [sflag:$0x1] =	stream.linear.gather [hbm4b:s16+s11], $0x80, $0x38;
	[tilespmem:$0x19300] =	vst v63  }
0x2e: {  	s14 =	rddreg [dreg:$0xe];
	s16 =	simm.s32 $0x13F00  }
0x2f: {  	[tilespmem:s16], [sflag:$0x1] =	stream.linear.gather [hbm4b:s14+s11], $0x80, $0x38;
	[tilespmem:$0x19300] =	vst v63  }
0x30: {  	s20 =	simm.s32 $0x14000  }
0x31: {  	[tilespmem:s20], [sflag:$0x1] =	stream.linear.gather [hbm4b:s17+s11], $0x80, $0x38;
	[tilespmem:$0x19300] =	vst v63  }
0x32: {  	s13 =	simm.s32 $0x14100  }
0x33: {  	[tilespmem:s13], [sflag:$0x1] =	stream.linear.gather [hbm4b:s18+s11], $0x80, $0x38;
	[tilespmem:$0x19300] =	vst v63  }
0x34: {  	s14 =	simm.s32 $0x14200  }
0x35: {  	[tilespmem:s14], [sflag:$0x1] =	stream.linear.gather [hbm4b:s19+s11], $0x80, $0x38;
	[tilespmem:$0x19300] =	vst v63  }
0x36: {  	s16 =	rddreg [dreg:$0x6];
	s20 =	simm.s32 $0x14300  }
0x37: {  	[tilespmem:s20], [sflag:$0x1] =	stream.linear.gather [hbm4b:s16+s11], $0x2800, $0x38;
	[tilespmem:$0x19300] =	vst v63  }
.LBB2_4:
0x38: {  	s12 =	sshllo.u32 s11, $0x1  }
0x39: {  	s13 =	smul.u32 $0xA0, s12;
	_ =	sdelay $0x1  }
0x3a: {  	s13 =	sadd.s32 s3, s13  }
0x3b: {  	[tilespmem:s24], [sflag:$0x2] =	stream.linear.gather [hbm4b:s13+s4], $0x80, $0x38;
	[tilespmem:$0x19300] =	vst v63  }
0x3c: {  	s14 =	sadd.s32 $0x10, s13  }
0x3d: {  	[tilespmem:s25], [sflag:$0x2] =	stream.linear.gather [hbm4b:s14+s4], $0x80, $0x38;
	[tilespmem:$0x19300] =	vst v63  }
0x3e: {  	s16 =	sadd.s32 $0x20, s13  }
0x3f: {  	[tilespmem:s26], [sflag:$0x2] =	stream.linear.gather [hbm4b:s16+s4], $0x80, $0x38;
	[tilespmem:$0x19300] =	vst v63  }
0x40: {  	s20 =	sadd.s32 $0x30, s13  }
0x41: {  	[tilespmem:s28], [sflag:$0x2] =	stream.linear.gather [hbm4b:s20+s4], $0x80, $0x38;
	[tilespmem:$0x19300] =	vst v63  }
0x42: {  	s16 =	sadd.s32 $0x40, s13  }
0x43: {  	[tilespmem:s29], [sflag:$0x2] =	stream.linear.gather [hbm4b:s16+s4], $0x80, $0x38;
	[tilespmem:$0x19300] =	vst v63  }
0x44: {  	s20 =	sadd.s32 $0x50, s13  }
0x45: {  	[tilespmem:s30], [sflag:$0x2] =	stream.linear.gather [hbm4b:s20+s4], $0x80, $0x38;
	[tilespmem:$0x19300] =	vst v63  }
0x46: {  	s16 =	sadd.s32 $0x60, s13  }
0x47: {  	[tilespmem:s31], [sflag:$0x2] =	stream.linear.gather [hbm4b:s16+s4], $0x80, $0x38;
	[tilespmem:$0x19300] =	vst v63  }
0x48: {  	s12 =	smul.u32 $0x28000, s12;
	s20 =	sadd.s32 $0x70, s13  }
0x49: {  	[tilespmem:s2], [sflag:$0x2] =	stream.linear.gather [hbm4b:s20+s4], $0x80, $0x38;
	[tilespmem:$0x19300] =	vst v63  }
0x4a: {  	s12 =	sadd.s32 s5, s12;
	s16 =	sadd.s32 $0x80, s13  }
0x4b: {  	[tilespmem:s0], [sflag:$0x2] =	stream.linear.gather [hbm4b:s16+s4], $0x80, $0x38;
	[tilespmem:$0x19300] =	vst v63  }
0x4c: {  	s12 =	sshrl.u32 s12, $0x3;
	s13 =	sadd.s32 $0x90, s13  }
0x4d: {  	[tilespmem:s23], [sflag:$0x2] =	stream.linear.gather [hbm4b:s13+s4], $0x80, $0x38;
	[tilespmem:$0x19300] =	vst v63  }
0x4e: {  	s12 =	sadd.s32 s1, s12  }
0x4f: {  	[tilespmem:s7], [sflag:$0x2] =	stream.linear.gather [hbm4b:s12+s4], $0x2800, $0x38;
	[tilespmem:$0x19300] =	vst v63  }
0x50: {  	_ =	swait.ge [sflag:s6], $0x500  }
0x51: {  	[sflag:s6] =	ssyncset.done $0x0  }
0x52: {  	[sflag:s6] =	ssyncadd.s32 $0xFFFFFB00  }
0x53: {  	_ =	swait.ge [sflag:s6], $0x2800  }
0x54: {  	[sflag:s6] =	ssyncset.done $0x0  }
0x55: {  	s20 =	simm.s32 $0x13A00;
	[sflag:s6] =	ssyncadd.s32 $0xFFFFD800  }
0x56: {  	v0 =	vld [tilespmem:s20+$0x70]  }
0x57: {  	v15 =	vld [tilespmem:s20+$0xFFFFFF10]  }
0x58: {  	v16 =	vld [tilespmem:s20+$0xFFFFFF20]  }
0x59: {  	v17 =	vld [tilespmem:s20+$0xFFFFFF30]  }
0x5a: {  	v18 =	vld [tilespmem:s20+$0xFFFFFF40]  }
0x5b: {  	v19 =	vld [tilespmem:s20+$0xFFFFFF50]  }
0x5c: {  	v2 =	vld [tilespmem:s15+$0x70]  }
0x5d: {  	v20 =	vld [tilespmem:s20+$0xFFFFFF60]  }
0x5e: {  	v21 =	vld [tilespmem:s20+$0xFFFFFF70]  }
0x5f: {  	v22 =	vld [tilespmem:s20+$0x0]  }
0x60: {  	v30 =	vld [tilespmem:s20+$0x10]  }
0x61: {  	v31 =	vld [tilespmem:s20+$0x20]  }
0x62: {  	v32 =	vld [tilespmem:s20+$0x30]  }
0x63: {  	v33 =	vld [tilespmem:s20+$0x40]  }
0x64: {  	v34 =	vld [tilespmem:s20+$0x50]  }
0x65: {  	v35 =	vld [tilespmem:s20+$0x60]  }
0x66: {  	v24 =	vld [tilespmem:s20+$0xFFFFFF00];
	v6 =	vand.u32 $0x3FFF, v0  }
0x67: {  	v48 =	vld [tilespmem:s15+$0xFFFFFC00]  }
0x68: {  	v49 =	vld [tilespmem:s15+$0xFFFFFC10]  }
0x69: {  	v50 =	vld [tilespmem:s15+$0xFFFFFC20]  }
0x6a: {  	v56 =	vld [tilespmem:s15+$0xFFFFFC30]  }
0x6b: {  	v1 =	vld.idx.msk [tilespmem:v6+s4+$0x0], $0xffff  }
0x6c: {  	v57 =	vld [tilespmem:s15+$0xFFFFFC40];
	v14 =	vand.u32 $0x3FFF, v15  }
0x6d: {  	v59 =	vld [tilespmem:s15+$0xFFFFFC50];
	v12 =	vand.u32 $0x3FFF, v16  }
0x6e: {  	v60 =	vld [tilespmem:s15+$0xFFFFFC60];
	v23 =	vshra.s32 v0, $0xE  }
0x6f: {  	v51 =	vld [tilespmem:s15+$0xFFFFFC70];
	v54 =	vadd.s32 $0x2710, v6  }
0x70: {  	v63 =	vld [tilespmem:s15+$0x0];
	v1 =	vadd.f32 v2, v1  }
0x71: {  	v13 =	vand.u32 $0x3FFF, v17;
	v25 =	vld.idx.msk [tilespmem:v14+s4+$0x0], $0xffff  }
0x72: {  	v11 =	vand.u32 $0x3FFF, v18;
	v27 =	vld.idx.msk [tilespmem:v12+s4+$0x0], $0xffff;
	v1 =	vmax.f32 v1, $0.0e+00  }
0x73: {  	v4 =	vand.u32 $0x3FFF, v20;
	[tilespmem:v23+s8+$0x0] =	vst.idx.add.f32.msk $0xffff, v1  }
0x74: {  	v9 =	vand.u32 $0x3FFF, v21;
	v0 =	vld.idx.msk [tilespmem:v54+s4+$0x0], $0xffff  }
0x75: {  	v10 =	vand.u32 $0x3FFF, v32;
	v1 =	vld [tilespmem:s15+$0xF0]  }
0x76: {  	v5 =	vadd.s32 $0x4E20, v6;
	v29 =	vadd.s32 $0x7530, v6;
	v36 =	vld.idx.msk [tilespmem:v13+s4+$0x0], $0xffff;
	v6 =	vand.u32 $0x3FFF, v33  }
0x77: {  	v37 =	vld.idx.msk [tilespmem:v11+s4+$0x0], $0xffff;
	v2 =	vand.u32 $0x3FFF, v19  }
0x78: {  	v3 =	vadd.s32 $0x2710, v23;
	v39 =	vld.idx.msk [tilespmem:v4+s4+$0x0], $0xffff  }
0x79: {  	v40 =	vld.idx.msk [tilespmem:v9+s4+$0x0], $0xffff  }
0x7a: {  	v44 =	vld.idx.msk [tilespmem:v10+s4+$0x0], $0xffff;
	v0 =	vadd.f32 v1, v0  }
0x7b: {  	v45 =	vld.idx.msk [tilespmem:v6+s4+$0x0], $0xffff  }
0x7c: {  	v38 =	vld.idx.msk [tilespmem:v2+s4+$0x0], $0xffff;
	v1 =	vmax.f32 v0, $0.0e+00  }
0x7d: {  	[tilespmem:v3+s8+$0x0] =	vst.idx.add.f32.msk $0xffff, v1  }
0x7e: {  	v0 =	vand.u32 $0x3FFF, v24;
	v7 =	vld.idx.msk [tilespmem:v5+s4+$0x0], $0xffff  }
0x7f: {  	v3 =	vand.u32 $0x3FFF, v30;
	v8 =	vld [tilespmem:s15+$0x170]  }
0x80: {  	v52 =	vadd.f32 v56, v36;
	v36 =	vld [tilespmem:s15+$0x10];
	v1 =	vand.u32 $0x3FFF, v31  }
0x81: {  	v54 =	vadd.f32 v57, v37;
	v57 =	vld [tilespmem:s15+$0x50];
	v5 =	vand.u32 $0x3FFF, v22  }
0x82: {  	v28 =	vadd.s32 $0x4E20, v23;
	v56 =	vadd.f32 v59, v38;
	v59 =	vadd.f32 v60, v39;
	v60 =	vld [tilespmem:s15+$0x60]  }
0x83: {  	v26 =	vld.idx.msk [tilespmem:v0+s4+$0x0], $0xffff  }
0x84: {  	v42 =	vld.idx.msk [tilespmem:v3+s4+$0x0], $0xffff;
	v7 =	vadd.f32 v8, v7  }
0x85: {  	v43 =	vld.idx.msk [tilespmem:v1+s4+$0x0], $0xffff  }
0x86: {  	v62 =	vadd.f32 v50, v27;
	v27 =	vshra.s32 v17, $0xE;
	v41 =	vld.idx.msk [tilespmem:v5+s4+$0x0], $0xffff;
	v8 =	vmax.f32 v7, $0.0e+00  }
0x87: {  	v17 =	vshra.s32 v30, $0xE;
	v7 =	vand.u32 $0x3FFF, v34;
	[tilespmem:v28+s8+$0x0] =	vst.idx.add.f32.msk $0xffff, v8  }
0x88: {  	v58 =	vadd.f32 v48, v26;
	v26 =	vshra.s32 v16, $0xE;
	v16 =	vmax.f32 v52, $0.0e+00;
	v52 =	vld [tilespmem:s15+$0x20]  }
0x89: {  	v25 =	vadd.f32 v49, v25;
	v8 =	vand.u32 $0x3FFF, v35;
	v28 =	vld.idx.msk [tilespmem:v29+s4+$0x0], $0xffff  }
0x8a: {  	v55 =	vld [tilespmem:s15+$0x1F0];
	v36 =	vadd.f32 v36, v42  }
0x8b: {  	v61 =	vmax.f32 v25, $0.0e+00;
	v25 =	vshra.s32 v18, $0xE;
	v18 =	vmax.f32 v56, $0.0e+00;
	[tilespmem:v27+s8+$0x0] =	vst.idx.add.f32.msk $0xffff, v16  }
0x8c: {  	v56 =	vadd.s32 $0x2710, v3;
	v63 =	vadd.f32 v63, v41;
	v41 =	vmax.f32 v36, $0.0e+00;
	v46 =	vld.idx.msk [tilespmem:v7+s4+$0x0], $0xffff  }
0x8d: {  	[tilespmem:v17+s8+$0x0] =	vst.idx.add.f32.msk $0xffff, v41  }
0x8e: {  	v53 =	vmax.f32 v62, $0.0e+00;
	v47 =	vld.idx.msk [tilespmem:v8+s4+$0x0], $0xffff  }
0x8f: {  	v23 =	vadd.s32 $0x7530, v23;
	[tilespmem:v26+s8+$0x0] =	vst.idx.add.f32.msk $0xffff, v53  }
0x90: {  	v53 =	vld [tilespmem:s15+$0x30]  }
0x91: {  	v16 =	vshra.s32 v22, $0xE;
	v39 =	vld.idx.msk [tilespmem:v56+s4+$0x0], $0xffff;
	v28 =	vadd.f32 v55, v28  }
0x92: {  	v56 =	vld [tilespmem:s15+$0xFFFFFCB0]  }
0x93: {  	v49 =	vadd.s32 $0x2710, v12;
	v55 =	vld [tilespmem:s15+$0x40];
	v29 =	vmax.f32 v28, $0.0e+00;
	v28 =	vshra.s32 v24, $0xE  }
0x94: {  	v22 =	vshra.s32 v32, $0xE;
	v24 =	vmax.f32 v58, $0.0e+00;
	v58 =	vmax.f32 v54, $0.0e+00;
	[tilespmem:v23+s8+$0x0] =	vst.idx.add.f32.msk $0xffff, v29  }
0x95: {  	v23 =	vshra.s32 v20, $0xE;
	[tilespmem:v25+s8+$0x0] =	vst.idx.add.f32.msk $0xffff, v58;
	v20 =	vmax.f32 v63, $0.0e+00;
	v48 =	vadd.f32 v60, v47  }
0x96: {  	v42 =	vadd.f32 v53, v44;
	[tilespmem:v16+s8+$0x0] =	vst.idx.add.f32.msk $0xffff, v20  }
0x97: {  	v29 =	vshra.s32 v15, $0xE;
	v20 =	vshra.s32 v35, $0xE;
	v35 =	vmax.f32 v48, $0.0e+00;
	v48 =	vld [tilespmem:s15+$0x80]  }
0x98: {  	v15 =	vshra.s32 v21, $0xE;
	v21 =	vshra.s32 v31, $0xE;
	v31 =	vmax.f32 v42, $0.0e+00;
	[tilespmem:v28+s8+$0x0] =	vst.idx.add.f32.msk $0xffff, v24  }
0x99: {  	[tilespmem:v22+s8+$0x0] =	vst.idx.add.f32.msk $0xffff, v31  }
0x9a: {  	v58 =	vadd.s32 $0x2710, v10;
	v31 =	vld.idx.msk [tilespmem:v49+s4+$0x0], $0xffff  }
0x9b: {  	v49 =	vld [tilespmem:s15+$0x90]  }
0x9c: {  	v62 =	vmax.f32 v59, $0.0e+00;
	[tilespmem:v29+s8+$0x0] =	vst.idx.add.f32.msk $0xffff, v61  }
0x9d: {  	v53 =	vadd.s32 $0x2710, v4;
	[tilespmem:v23+s8+$0x0] =	vst.idx.add.f32.msk $0xffff, v62  }
0x9e: {  	v60 =	vld [tilespmem:s15+$0xFFFFFC80]  }
0x9f: {  	v41 =	vld.idx.msk [tilespmem:v58+s4+$0x0], $0xffff  }
0xa0: {  	v58 =	vld [tilespmem:s15+$0xFFFFFCC0]  }
0xa1: {  	v44 =	vadd.s32 $0x2710, v0;
	v61 =	vadd.f32 v51, v40;
	[tilespmem:v20+s8+$0x0] =	vst.idx.add.f32.msk $0xffff, v35  }
0xa2: {  	v24 =	vshra.s32 v19, $0xE;
	v40 =	vadd.f32 v52, v43;
	v36 =	vld.idx.msk [tilespmem:v53+s4+$0x0], $0xffff  }
0xa3: {  	v19 =	vshra.s32 v34, $0xE;
	v63 =	vld [tilespmem:s15+$0xFFFFFC90];
	v30 =	vmax.f32 v61, $0.0e+00  }
0xa4: {  	v54 =	vadd.s32 $0x2710, v9;
	v32 =	vmax.f32 v40, $0.0e+00;
	[tilespmem:v15+s8+$0x0] =	vst.idx.add.f32.msk $0xffff, v30  }
0xa5: {  	v43 =	vadd.f32 v55, v45;
	v45 =	vadd.f32 v57, v46;
	[tilespmem:v21+s8+$0x0] =	vst.idx.add.f32.msk $0xffff, v32  }
0xa6: {  	v46 =	vadd.s32 $0x2710, v14;
	v30 =	vld.idx.msk [tilespmem:v44+s4+$0x0], $0xffff  }
0xa7: {  	v51 =	vadd.s32 $0x2710, v11;
	v34 =	vmax.f32 v45, $0.0e+00;
	[tilespmem:v24+s8+$0x0] =	vst.idx.add.f32.msk $0xffff, v18  }
0xa8: {  	v52 =	vadd.s32 $0x2710, v2;
	[tilespmem:v19+s8+$0x0] =	vst.idx.add.f32.msk $0xffff, v34  }
0xa9: {  	v55 =	vadd.s32 $0x2710, v5;
	v37 =	vld.idx.msk [tilespmem:v54+s4+$0x0], $0xffff  }
0xaa: {  	v57 =	vadd.s32 $0x2710, v1;
	v54 =	vld [tilespmem:s15+$0xFFFFFCA0]  }
0xab: {  	v32 =	vld.idx.msk [tilespmem:v46+s4+$0x0], $0xffff  }
0xac: {  	v61 =	vadd.s32 $0x2710, v7;
	v34 =	vld.idx.msk [tilespmem:v51+s4+$0x0], $0xffff  }
0xad: {  	v35 =	vld.idx.msk [tilespmem:v52+s4+$0x0], $0xffff  }
0xae: {  	v18 =	vshra.s32 v33, $0xE;
	v38 =	vld.idx.msk [tilespmem:v55+s4+$0x0], $0xffff  }
0xaf: {  	v50 =	vadd.s32 $0x2710, v13;
	v40 =	vld.idx.msk [tilespmem:v57+s4+$0x0], $0xffff  }
0xb0: {  	v59 =	vadd.s32 $0x2710, v6;
	v51 =	vld [tilespmem:s15+$0xA0]  }
0xb1: {  	v52 =	vadd.s32 $0x2710, v8;
	v44 =	vld.idx.msk [tilespmem:v61+s4+$0x0], $0xffff  }
0xb2: {  	v33 =	vmax.f32 v43, $0.0e+00;
	v61 =	vld [tilespmem:s15+$0xFFFFFCE0]  }
0xb3: {  	[tilespmem:v18+s8+$0x0] =	vst.idx.add.f32.msk $0xffff, v33  }
0xb4: {  	v33 =	vld.idx.msk [tilespmem:v50+s4+$0x0], $0xffff  }
0xb5: {  	v62 =	vadd.s32 $0x2710, v28;
	v42 =	vld.idx.msk [tilespmem:v59+s4+$0x0], $0xffff  }
0xb6: {  	v46 =	vld.idx.msk [tilespmem:v52+s4+$0x0], $0xffff  }
0xb7: {  	v55 =	vadd.s32 $0x2710, v26;
	v30 =	vadd.f32 v60, v30;
	v59 =	vld [tilespmem:s15+$0xFFFFFCD0]  }
0xb8: {  	v53 =	vadd.s32 $0x2710, v29;
	v52 =	vld [tilespmem:s15+$0xB0]  }
0xb9: {  	v31 =	vadd.f32 v54, v31;
	v30 =	vmax.f32 v30, $0.0e+00;
	v34 =	vadd.f32 v58, v34;
	v58 =	vld [tilespmem:s15+$0xD0]  }
0xba: {  	v60 =	vadd.s32 $0x2710, v25;
	[tilespmem:v62+s8+$0x0] =	vst.idx.add.f32.msk $0xffff, v30  }
0xbb: {  	v32 =	vadd.f32 v63, v32;
	v31 =	vmax.f32 v31, $0.0e+00;
	v62 =	vld [tilespmem:s15+$0xFFFFFCF0]  }
0xbc: {  	v50 =	vadd.s32 $0x2710, v23;
	[tilespmem:v55+s8+$0x0] =	vst.idx.add.f32.msk $0xffff, v31  }
0xbd: {  	v57 =	vadd.s32 $0x2710, v27;
	v32 =	vmax.f32 v32, $0.0e+00;
	v55 =	vld [tilespmem:s15+$0xC0]  }
0xbe: {  	v34 =	vmax.f32 v34, $0.0e+00;
	v31 =	vadd.f32 v61, v36;
	[tilespmem:v53+s8+$0x0] =	vst.idx.add.f32.msk $0xffff, v32  }
0xbf: {  	v63 =	vadd.s32 $0x2710, v24;
	[tilespmem:v60+s8+$0x0] =	vst.idx.add.f32.msk $0xffff, v34;
	v33 =	vadd.f32 v56, v33  }
0xc0: {  	v30 =	vadd.f32 v51, v40;
	v60 =	vld [tilespmem:s15+$0xE0];
	v31 =	vmax.f32 v31, $0.0e+00  }
0xc1: {  	v53 =	vadd.s32 $0x2710, v15;
	v35 =	vadd.f32 v59, v35;
	[tilespmem:v50+s8+$0x0] =	vst.idx.add.f32.msk $0xffff, v31;
	v33 =	vmax.f32 v33, $0.0e+00  }
0xc2: {  	v56 =	vadd.s32 $0x2710, v17;
	v37 =	vadd.f32 v62, v37;
	v62 =	vadd.f32 v52, v41;
	[tilespmem:v57+s8+$0x0] =	vst.idx.add.f32.msk $0xffff, v33  }
0xc3: {  	v35 =	vmax.f32 v35, $0.0e+00;
	v40 =	vadd.f32 v55, v42;
	v42 =	vadd.f32 v58, v44;
	v58 =	vld [tilespmem:s15+$0xFFFFFD20]  }
0xc4: {  	v39 =	vadd.f32 v49, v39;
	[tilespmem:v63+s8+$0x0] =	vst.idx.add.f32.msk $0xffff, v35  }
0xc5: {  	v54 =	vadd.s32 $0x2710, v16;
	v37 =	vmax.f32 v37, $0.0e+00;
	v32 =	vmax.f32 v62, $0.0e+00;
	v62 =	vld [tilespmem:s15+$0xFFFFFD30]  }
0xc6: {  	v39 =	vmax.f32 v39, $0.0e+00;
	v59 =	vadd.s32 $0x2710, v22;
	[tilespmem:v53+s8+$0x0] =	vst.idx.add.f32.msk $0xffff, v37  }
0xc7: {  	v61 =	vadd.s32 $0x2710, v18;
	v33 =	vadd.f32 v48, v38;
	[tilespmem:v56+s8+$0x0] =	vst.idx.add.f32.msk $0xffff, v39  }
0xc8: {  	v47 =	vadd.s32 $0x4E20, v14;
	v53 =	vld [tilespmem:s15+$0xFFFFFD00]  }
0xc9: {  	v41 =	vadd.s32 $0x2710, v20;
	v33 =	vmax.f32 v33, $0.0e+00;
	v56 =	vld [tilespmem:s15+$0xFFFFFD10]  }
0xca: {  	v50 =	vadd.s32 $0x4E20, v13;
	[tilespmem:v54+s8+$0x0] =	vst.idx.add.f32.msk $0xffff, v33  }
0xcb: {  	v52 =	vadd.s32 $0x4E20, v11;
	v46 =	vadd.f32 v60, v46;
	v45 =	vmax.f32 v40, $0.0e+00;
	[tilespmem:v59+s8+$0x0] =	vst.idx.add.f32.msk $0xffff, v32  }
0xcc: {  	v57 =	vadd.s32 $0x2710, v21;
	[tilespmem:v61+s8+$0x0] =	vst.idx.add.f32.msk $0xffff, v45  }
0xcd: {  	v44 =	vadd.s32 $0x4E20, v0;
	v31 =	vmax.f32 v46, $0.0e+00;
	v32 =	vld.idx.msk [tilespmem:v47+s4+$0x0], $0xffff  }
0xce: {  	v49 =	vadd.s32 $0x4E20, v12;
	[tilespmem:v41+s8+$0x0] =	vst.idx.add.f32.msk $0xffff, v31  }
0xcf: {  	v31 =	vld.idx.msk [tilespmem:v50+s4+$0x0], $0xffff  }
0xd0: {  	v30 =	vmax.f32 v30, $0.0e+00;
	v63 =	vadd.s32 $0x2710, v19;
	v34 =	vld.idx.msk [tilespmem:v52+s4+$0x0], $0xffff  }
0xd1: {  	[tilespmem:v57+s8+$0x0] =	vst.idx.add.f32.msk $0xffff, v30  }
0xd2: {  	v60 =	vadd.s32 $0x4E20, v9;
	v51 =	vld.idx.msk [tilespmem:v44+s4+$0x0], $0xffff  }
0xd3: {  	v54 =	vadd.s32 $0x4E20, v2;
	v30 =	vld.idx.msk [tilespmem:v49+s4+$0x0], $0xffff  }
0xd4: {  	v48 =	vmax.f32 v42, $0.0e+00;
	v59 =	vadd.s32 $0x4E20, v4;
	v49 =	vld [tilespmem:s15+$0xFFFFFD50]  }
0xd5: {  	[tilespmem:v63+s8+$0x0] =	vst.idx.add.f32.msk $0xffff, v48  }
0xd6: {  	v63 =	vld [tilespmem:s15+$0xFFFFFD40]  }
0xd7: {  	v46 =	vadd.s32 $0x4E20, v5;
	v47 =	vld.idx.msk [tilespmem:v60+s4+$0x0], $0xffff  }
0xd8: {  	v57 =	vadd.s32 $0x4E20, v29;
	v36 =	vld.idx.msk [tilespmem:v54+s4+$0x0], $0xffff  }
0xd9: {  	v45 =	vld.idx.msk [tilespmem:v59+s4+$0x0], $0xffff  }
0xda: {  	v32 =	vadd.f32 v56, v32;
	v56 =	vld [tilespmem:s15+$0xFFFFFD70]  }
0xdb: {  	v44 =	vadd.s32 $0x4E20, v27;
	v33 =	vadd.f32 v53, v51;
	v51 =	vld [tilespmem:s15+$0xFFFFFD60]  }
0xdc: {  	v32 =	vmax.f32 v32, $0.0e+00;
	v53 =	vld.idx.msk [tilespmem:v46+s4+$0x0], $0xffff  }
0xdd: {  	v14 =	vadd.s32 $0x7530, v14;
	v31 =	vadd.f32 v62, v31;
	[tilespmem:v57+s8+$0x0] =	vst.idx.add.f32.msk $0xffff, v32  }
0xde: {  	v55 =	vadd.s32 $0x4E20, v28;
	v57 =	vld [tilespmem:s15+$0x100]  }
0xdf: {  	v61 =	vadd.s32 $0x4E20, v26;
	v34 =	vadd.f32 v63, v34;
	v31 =	vmax.f32 v31, $0.0e+00;
	v63 =	vld [tilespmem:s15+$0x110]  }
0xe0: {  	v50 =	vadd.s32 $0x4E20, v3;
	[tilespmem:v44+s8+$0x0] =	vst.idx.add.f32.msk $0xffff, v31  }
0xe1: {  	v54 =	vadd.s32 $0x4E20, v1;
	v30 =	vadd.f32 v58, v30;
	v44 =	vld [tilespmem:s15+$0x120]  }
0xe2: {  	v33 =	vmax.f32 v33, $0.0e+00;
	v14 =	vld.idx.msk [tilespmem:v14+s4+$0x0], $0xffff  }
0xe3: {  	v30 =	vmax.f32 v30, $0.0e+00;
	[tilespmem:v55+s8+$0x0] =	vst.idx.add.f32.msk $0xffff, v33  }
0xe4: {  	[tilespmem:v61+s8+$0x0] =	vst.idx.add.f32.msk $0xffff, v30  }
0xe5: {  	v13 =	vadd.s32 $0x7530, v13;
	v33 =	vld.idx.msk [tilespmem:v50+s4+$0x0], $0xffff  }
0xe6: {  	v48 =	vadd.s32 $0x4E20, v25;
	v60 =	vld.idx.msk [tilespmem:v54+s4+$0x0], $0xffff  }
0xe7: {  	v0 =	vadd.s32 $0x7530, v0;
	v50 =	vld [tilespmem:s15+$0x130]  }
0xe8: {  	v12 =	vadd.s32 $0x7530, v12;
	v54 =	vld [tilespmem:s15+$0x150]  }
0xe9: {  	v37 =	vadd.f32 v56, v47;
	v56 =	vld [tilespmem:s15+$0x160]  }
0xea: {  	v11 =	vadd.s32 $0x7530, v11;
	v34 =	vmax.f32 v34, $0.0e+00;
	v13 =	vld.idx.msk [tilespmem:v13+s4+$0x0], $0xffff  }
0xeb: {  	v52 =	vadd.s32 $0x4E20, v24;
	[tilespmem:v48+s8+$0x0] =	vst.idx.add.f32.msk $0xffff, v34  }
0xec: {  	v58 =	vadd.s32 $0x4E20, v15;
	v0 =	vld.idx.msk [tilespmem:v0+s4+$0x0], $0xffff  }
0xed: {  	v59 =	vadd.s32 $0x4E20, v10;
	v30 =	vadd.f32 v49, v36;
	v12 =	vld.idx.msk [tilespmem:v12+s4+$0x0], $0xffff  }
0xee: {  	v35 =	vadd.f32 v51, v45;
	v51 =	vld [tilespmem:s15+$0x140]  }
0xef: {  	v30 =	vmax.f32 v30, $0.0e+00;
	v11 =	vld.idx.msk [tilespmem:v11+s4+$0x0], $0xffff  }
0xf0: {  	v2 =	vadd.s32 $0x7530, v2;
	v37 =	vmax.f32 v37, $0.0e+00;
	[tilespmem:v52+s8+$0x0] =	vst.idx.add.f32.msk $0xffff, v30  }
0xf1: {  	v9 =	vadd.s32 $0x7530, v9;
	[tilespmem:v58+s8+$0x0] =	vst.idx.add.f32.msk $0xffff, v37  }
0xf2: {  	v30 =	vld.idx.msk [tilespmem:v59+s4+$0x0], $0xffff  }
0xf3: {  	v32 =	vadd.f32 v57, v53;
	v57 =	vld [tilespmem:s15+$0xFFFFFD80]  }
0xf4: {  	v55 =	vadd.s32 $0x4E20, v23;
	v59 =	vld [tilespmem:s15+$0xFFFFFD90]  }
0xf5: {  	v61 =	vadd.s32 $0x4E20, v6;
	v2 =	vld.idx.msk [tilespmem:v2+s4+$0x0], $0xffff  }
0xf6: {  	v9 =	vld.idx.msk [tilespmem:v9+s4+$0x0], $0xffff  }
0xf7: {  	v62 =	vadd.s32 $0x4E20, v16;
	v38 =	vld [tilespmem:s15+$0xFFFFFDD0]  }
0xf8: {  	v48 =	vadd.s32 $0x4E20, v7;
	v35 =	vmax.f32 v35, $0.0e+00;
	v42 =	vld [tilespmem:s15+$0xFFFFFDF0]  }
0xf9: {  	v49 =	vadd.s32 $0x4E20, v8;
	[tilespmem:v55+s8+$0x0] =	vst.idx.add.f32.msk $0xffff, v35  }
0xfa: {  	v47 =	vld.idx.msk [tilespmem:v61+s4+$0x0], $0xffff  }
0xfb: {  	v4 =	vadd.s32 $0x7530, v4;
	v32 =	vmax.f32 v32, $0.0e+00;
	v61 =	vld [tilespmem:s15+$0xFFFFFDA0]  }
0xfc: {  	[tilespmem:v62+s8+$0x0] =	vst.idx.add.f32.msk $0xffff, v32  }
0xfd: {  	v5 =	vadd.s32 $0x7530, v5;
	v35 =	vld.idx.msk [tilespmem:v48+s4+$0x0], $0xffff  }
0xfe: {  	v32 =	vld.idx.msk [tilespmem:v49+s4+$0x0], $0xffff  }
0xff: {  	v45 =	vadd.s32 $0x4E20, v17;
	v62 =	vld [tilespmem:s15+$0xFFFFFDB0]  }
0x100: {  	v46 =	vadd.s32 $0x4E20, v21;
	v4 =	vld.idx.msk [tilespmem:v4+s4+$0x0], $0xffff  }
0x101: {  	v33 =	vadd.f32 v63, v33;
	v40 =	vld [tilespmem:s15+$0xFFFFFDE0]  }
0x102: {  	v1 =	vadd.s32 $0x7530, v1;
	v31 =	vadd.f32 v44, v60;
	v5 =	vld.idx.msk [tilespmem:v5+s4+$0x0], $0xffff  }
0x103: {  	v33 =	vmax.f32 v33, $0.0e+00;
	v43 =	vld [tilespmem:s15+$0x180]  }
0x104: {  	v31 =	vmax.f32 v31, $0.0e+00;
	[tilespmem:v45+s8+$0x0] =	vst.idx.add.f32.msk $0xffff, v33  }
0x105: {  	v52 =	vadd.s32 $0x4E20, v22;
	[tilespmem:v46+s8+$0x0] =	vst.idx.add.f32.msk $0xffff, v31  }
0x106: {  	v28 =	vadd.s32 $0x7530, v28;
	v33 =	vld [tilespmem:s15+$0xFFFFFDC0]  }
0x107: {  	v29 =	vadd.s32 $0x7530, v29;
	v30 =	vadd.f32 v50, v30;
	v1 =	vld.idx.msk [tilespmem:v1+s4+$0x0], $0xffff  }
0x108: {  	v10 =	vadd.s32 $0x7530, v10;
	v0 =	vadd.f32 v57, v0;
	v44 =	vld [tilespmem:s15+$0x190]  }
0x109: {  	v39 =	vadd.s32 $0x7530, v24;
	v14 =	vadd.f32 v59, v14;
	v46 =	vld [tilespmem:s15+$0x1A0];
	v30 =	vmax.f32 v30, $0.0e+00  }
0x10a: {  	v0 =	vmax.f32 v0, $0.0e+00;
	[tilespmem:v52+s8+$0x0] =	vst.idx.add.f32.msk $0xffff, v30  }
0x10b: {  	v53 =	vadd.s32 $0x4E20, v18;
	v2 =	vadd.f32 v38, v2;
	v14 =	vmax.f32 v14, $0.0e+00;
	[tilespmem:v28+s8+$0x0] =	vst.idx.add.f32.msk $0xffff, v0  }
0x10c: {  	v26 =	vadd.s32 $0x7530, v26;
	[tilespmem:v29+s8+$0x0] =	vst.idx.add.f32.msk $0xffff, v14  }
0x10d: {  	v45 =	vadd.s32 $0x7530, v15;
	v55 =	vadd.f32 v51, v47;
	v2 =	vmax.f32 v2, $0.0e+00;
	v10 =	vld.idx.msk [tilespmem:v10+s4+$0x0], $0xffff  }
0x10e: {  	v58 =	vadd.s32 $0x4E20, v19;
	v12 =	vadd.f32 v61, v12;
	[tilespmem:v39+s8+$0x0] =	vst.idx.add.f32.msk $0xffff, v2  }
0x10f: {  	v60 =	vadd.s32 $0x4E20, v20;
	v9 =	vadd.f32 v42, v9;
	v36 =	vmax.f32 v55, $0.0e+00;
	v48 =	vld [tilespmem:s15+$0x1B0]  }
0x110: {  	v6 =	vadd.s32 $0x7530, v6;
	v34 =	vadd.f32 v54, v35;
	v12 =	vmax.f32 v12, $0.0e+00;
	[tilespmem:v53+s8+$0x0] =	vst.idx.add.f32.msk $0xffff, v36  }
0x111: {  	v41 =	vadd.s32 $0x7530, v23;
	v32 =	vadd.f32 v56, v32;
	v9 =	vmax.f32 v9, $0.0e+00;
	[tilespmem:v26+s8+$0x0] =	vst.idx.add.f32.msk $0xffff, v12  }
0x112: {  	v34 =	vmax.f32 v34, $0.0e+00;
	[tilespmem:v45+s8+$0x0] =	vst.idx.add.f32.msk $0xffff, v9  }
0x113: {  	v37 =	vadd.s32 $0x7530, v7;
	v4 =	vadd.f32 v40, v4;
	v63 =	vmax.f32 v32, $0.0e+00;
	[tilespmem:v58+s8+$0x0] =	vst.idx.add.f32.msk $0xffff, v34  }
0x114: {  	v8 =	vadd.s32 $0x7530, v8;
	[tilespmem:v60+s8+$0x0] =	vst.idx.add.f32.msk $0xffff, v63  }
0x115: {  	v4 =	vmax.f32 v4, $0.0e+00;
	v6 =	vld.idx.msk [tilespmem:v6+s4+$0x0], $0xffff  }
0x116: {  	[tilespmem:v41+s8+$0x0] =	vst.idx.add.f32.msk $0xffff, v4  }
0x117: {  	v35 =	vadd.s32 $0x7530, v3;
	v50 =	vld [tilespmem:s15+$0x1C0]  }
0x118: {  	v47 =	vadd.s32 $0x7530, v16;
	v3 =	vld.idx.msk [tilespmem:v37+s4+$0x0], $0xffff  }
0x119: {  	v51 =	vadd.s32 $0x7530, v21;
	v8 =	vld.idx.msk [tilespmem:v8+s4+$0x0], $0xffff  }
0x11a: {  	v2 =	vadd.f32 v43, v5;
	v32 =	vadd.s32 $0x7530, v27;
	v52 =	vld [tilespmem:s15+$0x1D0]  }
0x11b: {  	v36 =	vadd.s32 $0x7530, v25;
	v1 =	vadd.f32 v46, v1;
	v54 =	vld [tilespmem:s15+$0x1E0]  }
0x11c: {  	v13 =	vadd.f32 v62, v13;
	v53 =	vadd.s32 $0x7530, v22;
	v2 =	vmax.f32 v2, $0.0e+00;
	v0 =	vld.idx.msk [tilespmem:v35+s4+$0x0], $0xffff  }
0x11d: {  	v57 =	vadd.s32 $0x7530, v19;
	v11 =	vadd.f32 v33, v11;
	[tilespmem:v47+s8+$0x0] =	vst.idx.add.f32.msk $0xffff, v2;
	v1 =	vmax.f32 v1, $0.0e+00  }
0x11e: {  	v59 =	vadd.s32 $0x7530, v20;
	v34 =	vmax.f32 v13, $0.0e+00;
	v56 =	vadd.f32 v48, v10;
	[tilespmem:v51+s8+$0x0] =	vst.idx.add.f32.msk $0xffff, v1  }
0x11f: {  	v49 =	vadd.s32 $0x7530, v17;
	v11 =	vmax.f32 v11, $0.0e+00;
	[tilespmem:v32+s8+$0x0] =	vst.idx.add.f32.msk $0xffff, v34;
	v60 =	vadd.f32 v52, v3  }
0x120: {  	v55 =	vadd.s32 $0x7530, v18;
	[tilespmem:v36+s8+$0x0] =	vst.idx.add.f32.msk $0xffff, v11;
	v2 =	vmax.f32 v56, $0.0e+00;
	v61 =	vadd.f32 v54, v8  }
0x121: {  	[tilespmem:v53+s8+$0x0] =	vst.idx.add.f32.msk $0xffff, v2;
	v0 =	vadd.f32 v44, v0;
	v62 =	vmax.f32 v60, $0.0e+00  }
0x122: {  	v58 =	vadd.f32 v50, v6;
	v63 =	vmax.f32 v61, $0.0e+00;
	[tilespmem:v57+s8+$0x0] =	vst.idx.add.f32.msk $0xffff, v62  }
0x123: {  	v0 =	vmax.f32 v0, $0.0e+00;
	[tilespmem:v59+s8+$0x0] =	vst.idx.add.f32.msk $0xffff, v63  }
0x124: {  	s14 =	simm.s32 $0x13C00;
	[tilespmem:v49+s8+$0x0] =	vst.idx.add.f32.msk $0xffff, v0;
	v0 =	vmax.f32 v58, $0.0e+00  }
0x125: {  	s13 =	simm.s32 $0x0;
	s12 =	sshll.u32 s11, $0x1;
	s20 =	smov.u32 s15;
	[tilespmem:v55+s8+$0x0] =	vst.idx.add.f32.msk $0xffff, v0  }
.LBB2_5:
0x126: {  	v0 =	vld [tilespmem:s14+$0x70]  }
0x127: {  	v1 =	vld [tilespmem:s14+$0xFFFFFF10]  }
0x128: {  	v2 =	vld [tilespmem:s14+$0xFFFFFF20]  }
0x129: {  	v3 =	vld [tilespmem:s14+$0xFFFFFF30]  }
0x12a: {  	v5 =	vld [tilespmem:s14+$0xFFFFFF40]  }
0x12b: {  	v6 =	vld [tilespmem:s14+$0xFFFFFF50]  }
0x12c: {  	v13 =	vld [tilespmem:s14+$0x0];
	v23 =	vand.u32 $0x3FFF, v1  }
0x12d: {  	v31 =	vld [tilespmem:s14+$0xFFFFFF00];
	v22 =	vand.u32 $0x3FFF, v2;
	v4 =	vadd.s32 $0x2710, v23  }
0x12e: {  	v51 =	vld [tilespmem:s14+$0xFFFFFF60];
	v21 =	vand.u32 $0x3FFF, v3;
	v53 =	vadd.s32 $0x2710, v22;
	[tilespmem:$0x1FC20] =	vst v4  }
0x12f: {  	v52 =	vld [tilespmem:s14+$0xFFFFFF70];
	v39 =	vshra.s32 v1, $0xE;
	v54 =	vadd.s32 $0x2710, v21;
	[tilespmem:$0x1FC30] =	vst v53  }
0x130: {  	v15 =	vld [tilespmem:s14+$0x20];
	v10 =	vand.u32 $0x3FFF, v0;
	v38 =	vshra.s32 v2, $0xE;
	v40 =	vadd.s32 $0x2710, v39;
	[tilespmem:$0x1FC40] =	vst v54  }
0x131: {  	v35 =	vld [tilespmem:s14+$0x30];
	v37 =	vshra.s32 v3, $0xE;
	v11 =	vand.u32 $0x3FFF, v13;
	v41 =	vadd.s32 $0x2710, v38;
	[tilespmem:$0x1FC60] =	vst v40  }
0x132: {  	v28 =	vld [tilespmem:s14+$0x50];
	v27 =	vshra.s32 v13, $0xE;
	v13 =	vshra.s32 v31, $0xE;
	v42 =	vadd.s32 $0x2710, v37;
	[tilespmem:$0x1FC70] =	vst v41  }
0x133: {  	v20 =	vand.u32 $0x3FFF, v5;
	v36 =	vshra.s32 v5, $0xE;
	v44 =	vadd.s32 $0x2710, v13;
	[tilespmem:$0x1FC80] =	vst v42  }
0x134: {  	v34 =	vshra.s32 v6, $0xE;
	v33 =	vshra.s32 v51, $0xE;
	v45 =	vadd.s32 $0x2710, v36;
	[tilespmem:$0x1FC50] =	vst v44  }
0x135: {  	v55 =	vld [tilespmem:s14+$0x10];
	s20 =	sadd.s32 $0x800, s20;
	v32 =	vshra.s32 v52, $0xE;
	v8 =	vand.u32 $0x3FFF, v15;
	v47 =	vadd.s32 $0x2710, v34;
	[tilespmem:$0x1FC90] =	vst v45  }
0x136: {  	v7 =	vld [tilespmem:s20+$0x70];
	v25 =	vshra.s32 v15, $0xE;
	v24 =	vshra.s32 v35, $0xE;
	v60 =	vadd.s32 $0x2710, v33;
	[tilespmem:$0x1FCA0] =	vst v47  }
0x137: {  	v5 =	vand.u32 $0x3FFF, v28;
	v15 =	vshra.s32 v28, $0xE;
	v28 =	vadd.s32 $0x2710, v32;
	[tilespmem:$0x1FCB0] =	vst v60;
	v14 =	vld.idx.msk [tilespmem:v10+s4+$0x0], $0xffff  }
0x138: {  	v1 =	vand.u32 $0x3FFF, v31;
	v31 =	vadd.s32 $0x2710, v24;
	[tilespmem:$0x1FCC0] =	vst v28  }
0x139: {  	[tilespmem:$0x1FCF0] =	vst v31;
	v40 =	vadd.s32 $0x2710, v15  }
0x13a: {  	v30 =	vld [tilespmem:s14+$0x60];
	v12 =	vshra.s32 v0, $0xE;
	v31 =	vadd.s32 $0x4E20, v22;
	[tilespmem:$0x1FD10] =	vst v40  }
0x13b: {  	v9 =	vand.u32 $0x3FFF, v55;
	[tilespmem:$0x1FD40] =	vst v31;
	v40 =	vadd.s32 $0x4E20, v20  }
0x13c: {  	v31 =	vadd.s32 $0x4E20, v9;
	[tilespmem:$0x1FD60] =	vst v40;
	v14 =	vadd.f32 v7, v14  }
0x13d: {  	v29 =	vadd.s32 $0x2710, v10;
	[tilespmem:$0x1FDB0] =	vst v31;
	v31 =	vadd.s32 $0x4E20, v13  }
0x13e: {  	v26 =	vshra.s32 v55, $0xE;
	[tilespmem:$0x1FE10] =	vst v31;
	v43 =	vmax.f32 v14, $0.0e+00  }
0x13f: {  	v4 =	vand.u32 $0x3FFF, v30;
	v14 =	vshra.s32 v30, $0xE;
	v30 =	vadd.s32 $0x2710, v26;
	[tilespmem:v12+s8+$0x0] =	vst.idx.add.f32.msk $0xffff, v43  }
0x140: {  	[tilespmem:$0x1FCE0] =	vst v30;
	v41 =	vadd.s32 $0x2710, v14  }
0x141: {  	v16 =	vld [tilespmem:s14+$0x40];
	v30 =	vadd.s32 $0x4E20, v23;
	[tilespmem:$0x1FD20] =	vst v41  }
0x142: {  	v19 =	vand.u32 $0x3FFF, v6;
	v7 =	vand.u32 $0x3FFF, v35;
	v35 =	vld.idx.msk [tilespmem:v29+s4+$0x0], $0xffff;
	v29 =	vadd.s32 $0x2710, v27;
	[tilespmem:$0x1FD30] =	vst v30  }
0x143: {  	v41 =	vadd.s32 $0x4E20, v19;
	[tilespmem:$0x1FCD0] =	vst v29  }
0x144: {  	v55 =	vld [tilespmem:s20+$0xF0];
	v30 =	vadd.s32 $0x4E20, v11;
	[tilespmem:$0x1FD70] =	vst v41  }
0x145: {  	v56 =	vadd.s32 $0x2710, v11;
	v40 =	vld.idx.msk [tilespmem:v11+s4+$0x0], $0xffff;
	v11 =	vadd.s32 $0x7530, v11;
	[tilespmem:$0x1FDA0] =	vst v30  }
0x146: {  	v41 =	vadd.s32 $0x4E20, v7;
	[tilespmem:$0x1FF80] =	vst v11  }
0x147: {  	v6 =	vand.u32 $0x3FFF, v16;
	v63 =	vadd.s32 $0x2710, v12;
	v30 =	vadd.s32 $0x4E20, v4;
	[tilespmem:$0x1FDD0] =	vst v41  }
0x148: {  	v16 =	vshra.s32 v16, $0xE;
	v53 =	vadd.s32 $0x2710, v7;
	v31 =	vld.idx.msk [tilespmem:v7+s4+$0x0], $0xffff;
	v7 =	vadd.s32 $0x7530, v7;
	[tilespmem:$0x1FE00] =	vst v30  }
0x149: {  	[tilespmem:$0x1FFB0] =	vst v7;
	v60 =	vadd.f32 v55, v35;
	v35 =	vadd.s32 $0x2710, v16  }
0x14a: {  	[tilespmem:$0x1FD00] =	vst v35;
	v35 =	vadd.s32 $0x4E20, v21  }
0x14b: {  	v29 =	vmax.f32 v60, $0.0e+00;
	[tilespmem:$0x1FD50] =	vst v35  }
0x14c: {  	v18 =	vand.u32 $0x3FFF, v51;
	v35 =	vadd.s32 $0x4E20, v8;
	[tilespmem:v63+s8+$0x0] =	vst.idx.add.f32.msk $0xffff, v29  }
0x14d: {  	v17 =	vand.u32 $0x3FFF, v52;
	v48 =	vld.idx.msk [tilespmem:v23+s4+$0x0], $0xffff;
	v63 =	vadd.s32 $0x4E20, v18;
	[tilespmem:$0x1FDC0] =	vst v35  }
0x14e: {  	v42 =	vld.idx.msk [tilespmem:v21+s4+$0x0], $0xffff;
	v29 =	vadd.s32 $0x4E20, v17;
	[tilespmem:$0x1FD80] =	vst v63  }
0x14f: {  	v46 =	vld.idx.msk [tilespmem:v20+s4+$0x0], $0xffff;
	v35 =	vadd.s32 $0x4E20, v39;
	[tilespmem:$0x1FD90] =	vst v29  }
0x150: {  	v44 =	vld.idx.msk [tilespmem:v19+s4+$0x0], $0xffff;
	v63 =	vadd.s32 $0x4E20, v6;
	[tilespmem:$0x1FE20] =	vst v35  }
0x151: {  	v2 =	vadd.s32 $0x4E20, v10;
	v47 =	vld.idx.msk [tilespmem:v18+s4+$0x0], $0xffff;
	v29 =	vadd.s32 $0x4E20, v5;
	[tilespmem:$0x1FDE0] =	vst v63  }
0x152: {  	v54 =	vadd.s32 $0x2710, v8;
	v35 =	vld.idx.msk [tilespmem:v8+s4+$0x0], $0xffff;
	v8 =	vadd.s32 $0x7530, v8;
	[tilespmem:$0x1FDF0] =	vst v29  }
0x153: {  	v52 =	vadd.s32 $0x2710, v6;
	v30 =	vld.idx.msk [tilespmem:v6+s4+$0x0], $0xffff;
	v6 =	vadd.s32 $0x7530, v6;
	[tilespmem:$0x1FFA0] =	vst v8  }
0x154: {  	v28 =	vld.idx.msk [tilespmem:v1+s4+$0x0], $0xffff;
	v63 =	vadd.s32 $0x4E20, v38;
	[tilespmem:$0x1FFC0] =	vst v6  }
0x155: {  	v45 =	vld.idx.msk [tilespmem:v17+s4+$0x0], $0xffff;
	v29 =	vadd.s32 $0x4E20, v33;
	[tilespmem:$0x1FE30] =	vst v63  }
0x156: {  	v3 =	vld.idx.msk [tilespmem:v2+s4+$0x0], $0xffff;
	v63 =	vadd.s32 $0x4E20, v37;
	[tilespmem:$0x1FE70] =	vst v29  }
0x157: {  	v2 =	vld [tilespmem:s20+$0x170];
	v29 =	vadd.s32 $0x4E20, v27;
	[tilespmem:$0x1FE40] =	vst v63  }
0x158: {  	v43 =	vld.idx.msk [tilespmem:v22+s4+$0x0], $0xffff;
	v63 =	vadd.s32 $0x4E20, v36;
	[tilespmem:$0x1FE90] =	vst v29  }
0x159: {  	v50 =	vadd.s32 $0x2710, v4;
	v29 =	vld.idx.msk [tilespmem:v4+s4+$0x0], $0xffff;
	v4 =	vadd.s32 $0x7530, v4;
	[tilespmem:$0x1FE50] =	vst v63  }
0x15a: {  	v0 =	vadd.s32 $0x4E20, v12;
	v11 =	vld [tilespmem:s20+$0x20];
	v63 =	vadd.s32 $0x4E20, v34;
	[tilespmem:$0x1FFD0] =	vst v4  }
0x15b: {  	v41 =	vld.idx.msk [tilespmem:v9+s4+$0x0], $0xffff;
	[tilespmem:$0x1FE60] =	vst v63;
	v63 =	vadd.s32 $0x4E20, v32  }
0x15c: {  	v10 =	vadd.s32 $0x7530, v10;
	v7 =	vld [tilespmem:s20+$0xFFFFFC30];
	v2 =	vadd.f32 v2, v3;
	[tilespmem:$0x1FE80] =	vst v63;
	v63 =	vadd.s32 $0x4E20, v26  }
0x15d: {  	v4 =	vld [tilespmem:s20+$0xFFFFFC40];
	[tilespmem:$0x1FEA0] =	vst v63;
	v63 =	vadd.s32 $0x4E20, v25  }
0x15e: {  	v8 =	vld [tilespmem:s20+$0xFFFFFC20];
	v2 =	vmax.f32 v2, $0.0e+00;
	[tilespmem:$0x1FEB0] =	vst v63  }
0x15f: {  	v63 =	vadd.s32 $0x4E20, v24;
	[tilespmem:v0+s8+$0x0] =	vst.idx.add.f32.msk $0xffff, v2  }
0x160: {  	v2 =	vld [tilespmem:s20+$0xFFFFFC00];
	[tilespmem:$0x1FEC0] =	vst v63;
	v63 =	vadd.s32 $0x4E20, v16  }
0x161: {  	v0 =	vld.idx.msk [tilespmem:v10+s4+$0x0], $0xffff;
	v10 =	vadd.s32 $0x7530, v21;
	[tilespmem:$0x1FED0] =	vst v63  }
0x162: {  	v3 =	vld.idx.msk [tilespmem:v5+s4+$0x0], $0xffff;
	v4 =	vadd.f32 v4, v46;
	v63 =	vadd.s32 $0x4E20, v15;
	[tilespmem:$0x1FF30] =	vst v10  }
0x163: {  	v10 =	vld [tilespmem:s20+$0x10];
	[tilespmem:$0x1FEE0] =	vst v63;
	v63 =	vadd.s32 $0x7530, v1  }
0x164: {  	v49 =	vadd.s32 $0x2710, v1;
	v60 =	vadd.s32 $0x4E20, v1;
	v1 =	vld [tilespmem:s20+$0x1F0];
	v4 =	vmax.f32 v4, $0.0e+00;
	[tilespmem:$0x1FF00] =	vst v63  }
0x165: {  	v61 =	vadd.s32 $0x2710, v19;
	v63 =	vadd.s32 $0x7530, v23;
	[tilespmem:v36+s8+$0x0] =	vst.idx.add.f32.msk $0xffff, v4  }
0x166: {  	v8 =	vadd.f32 v8, v43;
	v23 =	vadd.s32 $0x4E20, v14;
	[tilespmem:$0x1FF10] =	vst v63;
	v28 =	vadd.f32 v2, v28;
	v2 =	vld [tilespmem:s20+$0xFFFFFC50]  }
0x167: {  	v59 =	vadd.s32 $0x2710, v18;
	[tilespmem:$0x1FEF0] =	vst v23;
	v63 =	vadd.s32 $0x7530, v22;
	v22 =	vadd.s32 $0x7530, v19;
	v19 =	vld [tilespmem:s20+$0xFFFFFC70]  }
0x168: {  	v23 =	vadd.s32 $0x7530, v18;
	v18 =	vadd.f32 v7, v42;
	v7 =	vmax.f32 v8, $0.0e+00;
	v8 =	vld [tilespmem:s20+$0x0];
	[tilespmem:$0x1FF20] =	vst v63  }
0x169: {  	v58 =	vadd.s32 $0x2710, v17;
	[tilespmem:$0x1FF60] =	vst v23;
	v63 =	vadd.s32 $0x7530, v17;
	v17 =	vld [tilespmem:s20+$0xFFFFFC10]  }
0x16a: {  	v51 =	vadd.s32 $0x2710, v5;
	[tilespmem:v38+s8+$0x0] =	vst.idx.add.f32.msk $0xffff, v7  }
0x16b: {  	v6 =	vadd.s32 $0x7530, v12;
	[tilespmem:$0x1FF70] =	vst v63;
	v63 =	vadd.s32 $0x7530, v5;
	v5 =	vmax.f32 v18, $0.0e+00;
	v18 =	vld [tilespmem:s20+$0x50]  }
0x16c: {  	v0 =	vadd.f32 v1, v0;
	v1 =	vmax.f32 v28, $0.0e+00;
	[tilespmem:v37+s8+$0x0] =	vst.idx.add.f32.msk $0xffff, v5  }
0x16d: {  	v23 =	vadd.s32 $0x7530, v39;
	[tilespmem:v13+s8+$0x0] =	vst.idx.add.f32.msk $0xffff, v1  }
0x16e: {  	[tilespmem:$0x1FFF0] =	vst v23;
	v23 =	vadd.s32 $0x7530, v37;
	v37 =	vld [tilespmem:s20+$0xFFFFFC80]  }
0x16f: {  	v0 =	vmax.f32 v0, $0.0e+00;
	v12 =	vadd.f32 v17, v48;
	v17 =	vld [tilespmem:s20+$0xFFFFFC60]  }
0x170: {  	v62 =	vadd.s32 $0x2710, v20;
	v2 =	vadd.f32 v2, v44;
	[tilespmem:v6+s8+$0x0] =	vst.idx.add.f32.msk $0xffff, v0  }
0x171: {  	v8 =	vadd.f32 v8, v40;
	v6 =	vadd.f32 v19, v45;
	v19 =	vld [tilespmem:s20+$0x60]  }
0x172: {  	v2 =	vmax.f32 v2, $0.0e+00;
	v0 =	vmax.f32 v12, $0.0e+00;
	v12 =	vld [tilespmem:s20+$0x30]  }
0x173: {  	v1 =	vmax.f32 v8, $0.0e+00;
	[tilespmem:v34+s8+$0x0] =	vst.idx.add.f32.msk $0xffff, v2  }
0x174: {  	[tilespmem:v27+s8+$0x0] =	vst.idx.add.f32.msk $0xffff, v1  }
0x175: {  	v43 =	vadd.s32 $0x7530, v27;
	v27 =	vld.idx.msk [tilespmem:v62+s4+$0x0], $0xffff  }
0x176: {  	[tilespmem:$0x1FF50] =	vst v22;
	v62 =	vld [tilespmem:$0x1FC50]  }
0x177: {  	v10 =	vadd.f32 v10, v41;
	v6 =	vmax.f32 v6, $0.0e+00;
	[tilespmem:v39+s8+$0x0] =	vst.idx.add.f32.msk $0xffff, v0  }
0x178: {  	v22 =	vadd.s32 $0x7530, v13;
	v13 =	vadd.f32 v11, v35;
	[tilespmem:v32+s8+$0x0] =	vst.idx.add.f32.msk $0xffff, v6  }
0x179: {  	v42 =	vadd.s32 $0x7530, v32;
	v3 =	vadd.f32 v18, v3;
	v0 =	vmax.f32 v10, $0.0e+00;
	v32 =	vld.idx.msk [tilespmem:v56+s4+$0x0], $0xffff  }
0x17a: {  	v39 =	vmax.f32 v13, $0.0e+00;
	[tilespmem:v26+s8+$0x0] =	vst.idx.add.f32.msk $0xffff, v0  }
0x17b: {  	v18 =	vmax.f32 v3, $0.0e+00;
	[tilespmem:v25+s8+$0x0] =	vst.idx.add.f32.msk $0xffff, v39  }
0x17c: {  	[tilespmem:v15+s8+$0x0] =	vst.idx.add.f32.msk $0xffff, v18  }
0x17d: {  	v0 =	vld.idx.msk [tilespmem:v49+s4+$0x0], $0xffff  }
0x17e: {  	v55 =	vadd.s32 $0x2710, v25;
	v46 =	vadd.s32 $0x7530, v25;
	v25 =	vld [tilespmem:$0x1FC30]  }
0x17f: {  	v44 =	vadd.s32 $0x7530, v26;
	v26 =	vld [tilespmem:$0x1FC40]  }
0x180: {  	[tilespmem:$0x1FFE0] =	vst v22;
	v22 =	vadd.s32 $0x7530, v38;
	v38 =	vld [tilespmem:s20+$0xFFFFFC90]  }
0x181: {  	v39 =	vld [tilespmem:s20+$0xFFFFFCA0]  }
0x182: {  	v49 =	vld [tilespmem:s20+$0xFFFFFCC0]  }
0x183: {  	v45 =	vadd.s32 $0x7530, v15;
	v15 =	vld [tilespmem:$0x1FD40]  }
0x184: {  	v57 =	vadd.s32 $0x2710, v9;
	v9 =	vadd.s32 $0x7530, v9;
	v18 =	vld [tilespmem:$0x1FD70]  }
0x185: {  	[tilespmem:$0x1FF90] =	vst v9;
	v21 =	vadd.s32 $0x7530, v20;
	v9 =	vadd.f32 v17, v47;
	v17 =	vld [tilespmem:s20+$0x40]  }
0x186: {  	[tilespmem:$0x1FF40] =	vst v21;
	v21 =	vadd.s32 $0x7530, v34;
	v34 =	vld.idx.msk [tilespmem:v54+s4+$0x0], $0xffff  }
0x187: {  	v54 =	vld [tilespmem:s20+$0x90]  }
0x188: {  	v56 =	vld [tilespmem:s20+$0xA0]  }
0x189: {  	v9 =	vmax.f32 v9, $0.0e+00;
	v35 =	vadd.f32 v12, v31;
	v31 =	vld.idx.msk [tilespmem:v58+s4+$0x0], $0xffff  }
0x18a: {  	[tilespmem:v33+s8+$0x0] =	vst.idx.add.f32.msk $0xffff, v9  }
0x18b: {  	v28 =	vadd.s32 $0x7530, v33;
	v33 =	vld.idx.msk [tilespmem:v57+s4+$0x0], $0xffff  }
0x18c: {  	v12 =	vmax.f32 v35, $0.0e+00;
	v4 =	vadd.f32 v49, v27;
	v49 =	vld [tilespmem:$0x1FCA0]  }
0x18d: {  	[tilespmem:v24+s8+$0x0] =	vst.idx.add.f32.msk $0xffff, v12  }
0x18e: {  	v48 =	vadd.s32 $0x7530, v24;
	v24 =	vld [tilespmem:$0x1FC20]  }
0x18f: {  	v41 =	vadd.f32 v17, v30;
	v17 =	vadd.f32 v19, v29;
	v29 =	vld.idx.msk [tilespmem:v61+s4+$0x0], $0xffff  }
0x190: {  	v30 =	vld.idx.msk [tilespmem:v59+s4+$0x0], $0xffff  }
0x191: {  	v59 =	vld [tilespmem:s20+$0xD0]  }
0x192: {  	v27 =	vadd.f32 v56, v34;
	v56 =	vld [tilespmem:$0x1FCE0]  }
0x193: {  	v35 =	vld.idx.msk [tilespmem:v53+s4+$0x0], $0xffff  }
0x194: {  	v53 =	vld [tilespmem:s20+$0x80]  }
0x195: {  	v57 =	vld [tilespmem:s20+$0xB0]  }
0x196: {  	v0 =	vadd.f32 v37, v0;
	v2 =	vld.idx.msk [tilespmem:v25+s4+$0x0], $0xffff  }
0x197: {  	v3 =	vld.idx.msk [tilespmem:v26+s4+$0x0], $0xffff  }
0x198: {  	v0 =	vmax.f32 v0, $0.0e+00;
	v13 =	vmax.f32 v41, $0.0e+00;
	v41 =	vld [tilespmem:s20+$0xFFFFFCB0]  }
0x199: {  	[tilespmem:v62+s8+$0x0] =	vst.idx.add.f32.msk $0xffff, v0  }
0x19a: {  	v19 =	vmax.f32 v17, $0.0e+00;
	v17 =	vld [tilespmem:$0x1FD60]  }
0x19b: {  	v25 =	vld [tilespmem:$0x1FDA0]  }
0x19c: {  	[tilespmem:v16+s8+$0x0] =	vst.idx.add.f32.msk $0xffff, v13  }
0x19d: {  	[tilespmem:v14+s8+$0x0] =	vst.idx.add.f32.msk $0xffff, v19  }
0x19e: {  	v13 =	vld.idx.msk [tilespmem:v51+s4+$0x0], $0xffff  }
0x19f: {  	v51 =	vld [tilespmem:s20+$0xFFFFFCE0]  }
0x1a0: {  	v9 =	vadd.f32 v54, v33;
	v54 =	vld [tilespmem:$0x1FCD0]  }
0x1a1: {  	v62 =	vld.idx.msk [tilespmem:v60+s4+$0x0], $0xffff  }
0x1a2: {  	v47 =	vadd.s32 $0x7530, v16;
	v16 =	vld [tilespmem:$0x1FD50]  }
0x1a3: {  	v19 =	vld [tilespmem:$0x1FD80]  }
0x1a4: {  	v33 =	vmax.f32 v27, $0.0e+00;
	v27 =	vld [tilespmem:$0x1FDC0]  }
0x1a5: {  	v20 =	vadd.s32 $0x7530, v36;
	v36 =	vld.idx.msk [tilespmem:v52+s4+$0x0], $0xffff  }
0x1a6: {  	v40 =	vadd.s32 $0x7530, v14;
	v14 =	vld.idx.msk [tilespmem:v50+s4+$0x0], $0xffff  }
0x1a7: {  	v50 =	vld [tilespmem:s20+$0xFFFFFCD0]  }
0x1a8: {  	v52 =	vld [tilespmem:s20+$0xFFFFFCF0]  }
0x1a9: {  	v58 =	vld [tilespmem:s20+$0xC0]  }
0x1aa: {  	v61 =	vld [tilespmem:s20+$0xE0]  }
0x1ab: {  	[tilespmem:v55+s8+$0x0] =	vst.idx.add.f32.msk $0xffff, v33  }
0x1ac: {  	v33 =	vld [tilespmem:s20+$0xFFFFFD00]  }
0x1ad: {  	v8 =	vadd.f32 v53, v32;
	v32 =	vld [tilespmem:$0x1FC70]  }
0x1ae: {  	v53 =	vld [tilespmem:$0x1FCC0]  }
0x1af: {  	v1 =	vld.idx.msk [tilespmem:v24+s4+$0x0], $0xffff  }
0x1b0: {  	v6 =	vadd.f32 v51, v30;
	v51 =	vld [tilespmem:$0x1FCB0]  }
0x1b1: {  	v37 =	vadd.f32 v59, v13;
	v59 =	vld [tilespmem:$0x1FD10]  }
0x1b2: {  	v24 =	vld [tilespmem:$0x1FD90]  }
0x1b3: {  	v5 =	vadd.f32 v50, v29;
	v29 =	vld [tilespmem:$0x1FC60]  }
0x1b4: {  	v30 =	vmax.f32 v9, $0.0e+00;
	v7 =	vadd.f32 v52, v31;
	v31 =	vadd.f32 v57, v35;
	v35 =	vld [tilespmem:$0x1FC80]  }
0x1b5: {  	[tilespmem:v56+s8+$0x0] =	vst.idx.add.f32.msk $0xffff, v30  }
0x1b6: {  	v57 =	vld [tilespmem:$0x1FCF0]  }
0x1b7: {  	v34 =	vadd.f32 v58, v36;
	v58 =	vld [tilespmem:$0x1FD00]  }
0x1b8: {  	v3 =	vadd.f32 v41, v3;
	v41 =	vadd.f32 v61, v14;
	v61 =	vld [tilespmem:$0x1FD20]  }
0x1b9: {  	v14 =	vld [tilespmem:$0x1FD30]  }
0x1ba: {  	v30 =	vld [tilespmem:$0x1FDE0]  }
0x1bb: {  	v56 =	vld [tilespmem:$0x1FE10]  }
0x1bc: {  	v26 =	vmax.f32 v8, $0.0e+00;
	v0 =	vadd.f32 v33, v62;
	v62 =	vld [tilespmem:$0x1FE30]  }
0x1bd: {  	[tilespmem:v54+s8+$0x0] =	vst.idx.add.f32.msk $0xffff, v26  }
0x1be: {  	v26 =	vld [tilespmem:$0x1FDB0]  }
0x1bf: {  	v10 =	vld.idx.msk [tilespmem:v27+s4+$0x0], $0xffff  }
0x1c0: {  	v5 =	vmax.f32 v5, $0.0e+00;
	v36 =	vmax.f32 v31, $0.0e+00;
	v31 =	vld [tilespmem:$0x1FDF0]  }
0x1c1: {  	[tilespmem:v49+s8+$0x0] =	vst.idx.add.f32.msk $0xffff, v5  }
0x1c2: {  	v8 =	vld.idx.msk [tilespmem:v25+s4+$0x0], $0xffff  }
0x1c3: {  	v2 =	vadd.f32 v39, v2;
	v49 =	vld [tilespmem:s20+$0x100]  }
0x1c4: {  	v1 =	vadd.f32 v38, v1;
	v38 =	vld [tilespmem:$0x1FC90]  }
0x1c5: {  	v2 =	vmax.f32 v2, $0.0e+00;
	v5 =	vld.idx.msk [tilespmem:v18+s4+$0x0], $0xffff  }
0x1c6: {  	v7 =	vmax.f32 v7, $0.0e+00;
	[tilespmem:v32+s8+$0x0] =	vst.idx.add.f32.msk $0xffff, v2  }
0x1c7: {  	[tilespmem:v53+s8+$0x0] =	vst.idx.add.f32.msk $0xffff, v7  }
0x1c8: {  	v32 =	vld [tilespmem:$0x1FE00]  }
0x1c9: {  	v2 =	vld.idx.msk [tilespmem:v15+s4+$0x0], $0xffff  }
0x1ca: {  	v6 =	vmax.f32 v6, $0.0e+00;
	v52 =	vmax.f32 v41, $0.0e+00;
	v41 =	vld [tilespmem:s20+$0xFFFFFD70]  }
0x1cb: {  	v50 =	vmax.f32 v37, $0.0e+00;
	[tilespmem:v51+s8+$0x0] =	vst.idx.add.f32.msk $0xffff, v6  }
0x1cc: {  	[tilespmem:v59+s8+$0x0] =	vst.idx.add.f32.msk $0xffff, v50  }
0x1cd: {  	v7 =	vld.idx.msk [tilespmem:v24+s4+$0x0], $0xffff  }
0x1ce: {  	v50 =	vld [tilespmem:s20+$0x110]  }
0x1cf: {  	v51 =	vld [tilespmem:s20+$0x120]  }
0x1d0: {  	v1 =	vmax.f32 v1, $0.0e+00;
	v59 =	vld [tilespmem:$0x1FE20]  }
0x1d1: {  	v3 =	vmax.f32 v3, $0.0e+00;
	[tilespmem:v29+s8+$0x0] =	vst.idx.add.f32.msk $0xffff, v1  }
0x1d2: {  	[tilespmem:v35+s8+$0x0] =	vst.idx.add.f32.msk $0xffff, v3  }
0x1d3: {  	v39 =	vmax.f32 v34, $0.0e+00;
	[tilespmem:v57+s8+$0x0] =	vst.idx.add.f32.msk $0xffff, v36  }
0x1d4: {  	[tilespmem:v58+s8+$0x0] =	vst.idx.add.f32.msk $0xffff, v39  }
0x1d5: {  	[tilespmem:v61+s8+$0x0] =	vst.idx.add.f32.msk $0xffff, v52  }
0x1d6: {  	v6 =	vld.idx.msk [tilespmem:v19+s4+$0x0], $0xffff  }
0x1d7: {  	v29 =	vld [tilespmem:$0x1FDD0]  }
0x1d8: {  	v35 =	vld [tilespmem:s20+$0xFFFFFD20]  }
0x1d9: {  	v39 =	vld [tilespmem:s20+$0xFFFFFD60]  }
0x1da: {  	v0 =	vmax.f32 v0, $0.0e+00;
	v54 =	vld [tilespmem:s20+$0x150]  }
0x1db: {  	[tilespmem:v56+s8+$0x0] =	vst.idx.add.f32.msk $0xffff, v0  }
0x1dc: {  	v8 =	vadd.f32 v49, v8;
	v49 =	vld [tilespmem:$0x1FEF0]  }
0x1dd: {  	v56 =	vld [tilespmem:$0x1FF60]  }
0x1de: {  	v1 =	vld.idx.msk [tilespmem:v14+s4+$0x0], $0xffff  }
0x1df: {  	v3 =	vld.idx.msk [tilespmem:v16+s4+$0x0], $0xffff  }
0x1e0: {  	v12 =	vld.idx.msk [tilespmem:v30+s4+$0x0], $0xffff  }
0x1e1: {  	v34 =	vld [tilespmem:s20+$0xFFFFFD10]  }
0x1e2: {  	v36 =	vld [tilespmem:s20+$0xFFFFFD30]  }
0x1e3: {  	v52 =	vld [tilespmem:s20+$0x130]  }
0x1e4: {  	v53 =	vld [tilespmem:s20+$0x140]  }
0x1e5: {  	v55 =	vld [tilespmem:s20+$0x160]  }
0x1e6: {  	v30 =	vld [tilespmem:$0x1FE60]  }
0x1e7: {  	v9 =	vld.idx.msk [tilespmem:v26+s4+$0x0], $0xffff  }
0x1e8: {  	v13 =	vld.idx.msk [tilespmem:v31+s4+$0x0], $0xffff  }
0x1e9: {  	v4 =	vmax.f32 v4, $0.0e+00;
	v26 =	vld [tilespmem:$0x1FE50]  }
0x1ea: {  	[tilespmem:v38+s8+$0x0] =	vst.idx.add.f32.msk $0xffff, v4  }
0x1eb: {  	v38 =	vld [tilespmem:s20+$0xFFFFFD50]  }
0x1ec: {  	v7 =	vadd.f32 v41, v7;
	v41 =	vld [tilespmem:$0x1FEE0]  }
0x1ed: {  	v58 =	vadd.f32 v51, v10;
	v51 =	vld [tilespmem:$0x1FF10]  }
0x1ee: {  	v4 =	vld.idx.msk [tilespmem:v17+s4+$0x0], $0xffff  }
0x1ef: {  	v14 =	vld.idx.msk [tilespmem:v32+s4+$0x0], $0xffff  }
0x1f0: {  	v37 =	vld [tilespmem:s20+$0xFFFFFD40]  }
0x1f1: {  	v17 =	vld [tilespmem:$0x1FE40]  }
0x1f2: {  	v32 =	vld [tilespmem:$0x1FE70]  }
0x1f3: {  	v2 =	vadd.f32 v35, v2;
	v35 =	vld [tilespmem:$0x1FE90]  }
0x1f4: {  	v6 =	vadd.f32 v39, v6;
	v39 =	vld [tilespmem:$0x1FED0]  }
0x1f5: {  	v1 =	vadd.f32 v34, v1;
	v34 =	vld [tilespmem:$0x1FE80]  }
0x1f6: {  	v3 =	vadd.f32 v36, v3;
	v36 =	vld [tilespmem:$0x1FEA0]  }
0x1f7: {  	v16 =	vadd.f32 v53, v12;
	v53 =	vld [tilespmem:$0x1FF30]  }
0x1f8: {  	v15 =	vmax.f32 v58, $0.0e+00;
	v58 =	vld [tilespmem:$0x1FF80]  }
0x1f9: {  	v9 =	vadd.f32 v50, v9;
	v50 =	vld [tilespmem:$0x1FF00]  }
0x1fa: {  	v25 =	vadd.f32 v54, v13;
	v54 =	vld [tilespmem:$0x1FF40]  }
0x1fb: {  	v2 =	vmax.f32 v2, $0.0e+00;
	v11 =	vld.idx.msk [tilespmem:v29+s4+$0x0], $0xffff  }
0x1fc: {  	[tilespmem:v62+s8+$0x0] =	vst.idx.add.f32.msk $0xffff, v2  }
0x1fd: {  	v1 =	vmax.f32 v1, $0.0e+00;
	v62 =	vld [tilespmem:$0x1FFC0]  }
0x1fe: {  	[tilespmem:v59+s8+$0x0] =	vst.idx.add.f32.msk $0xffff, v1  }
0x1ff: {  	v5 =	vadd.f32 v38, v5;
	v38 =	vld [tilespmem:$0x1FEC0]  }
0x200: {  	v59 =	vld [tilespmem:$0x1FF90]  }
0x201: {  	v31 =	vmax.f32 v25, $0.0e+00;
	v25 =	vld [tilespmem:$0x1FFD0]  }
0x202: {  	v4 =	vadd.f32 v37, v4;
	v37 =	vld [tilespmem:$0x1FEB0]  }
0x203: {  	v29 =	vadd.f32 v55, v14;
	v55 =	vld [tilespmem:$0x1FF50];
	v5 =	vmax.f32 v5, $0.0e+00  }
0x204: {  	[tilespmem:v30+s8+$0x0] =	vst.idx.add.f32.msk $0xffff, v5  }
0x205: {  	[tilespmem:v41+s8+$0x0] =	vst.idx.add.f32.msk $0xffff, v31  }
0x206: {  	v1 =	vld.idx.msk [tilespmem:v51+s4+$0x0], $0xffff  }
0x207: {  	v3 =	vmax.f32 v3, $0.0e+00;
	v33 =	vmax.f32 v29, $0.0e+00;
	v29 =	vld [tilespmem:s20+$0xFFFFFDA0]  }
0x208: {  	v4 =	vmax.f32 v4, $0.0e+00;
	[tilespmem:v17+s8+$0x0] =	vst.idx.add.f32.msk $0xffff, v3  }
0x209: {  	v6 =	vmax.f32 v6, $0.0e+00;
	[tilespmem:v26+s8+$0x0] =	vst.idx.add.f32.msk $0xffff, v4  }
0x20a: {  	v57 =	vmax.f32 v8, $0.0e+00;
	[tilespmem:v32+s8+$0x0] =	vst.idx.add.f32.msk $0xffff, v6  }
0x20b: {  	v27 =	vmax.f32 v16, $0.0e+00;
	[tilespmem:v35+s8+$0x0] =	vst.idx.add.f32.msk $0xffff, v57  }
0x20c: {  	[tilespmem:v39+s8+$0x0] =	vst.idx.add.f32.msk $0xffff, v27  }
0x20d: {  	[tilespmem:v49+s8+$0x0] =	vst.idx.add.f32.msk $0xffff, v33  }
0x20e: {  	v61 =	vadd.f32 v52, v11;
	v52 =	vld [tilespmem:$0x1FF20]  }
0x20f: {  	v57 =	vld [tilespmem:$0x1FF70]  }
0x210: {  	v63 =	vld.idx.msk [tilespmem:v63+s4+$0x0], $0xffff  }
0x211: {  	v26 =	vld [tilespmem:s20+$0xFFFFFD80]  }
0x212: {  	v27 =	vld [tilespmem:s20+$0xFFFFFD90]  }
0x213: {  	v32 =	vld [tilespmem:s20+$0xFFFFFDD0]  }
0x214: {  	v7 =	vmax.f32 v7, $0.0e+00;
	v41 =	vld [tilespmem:s20+$0x1D0]  }
0x215: {  	v60 =	vmax.f32 v9, $0.0e+00;
	[tilespmem:v34+s8+$0x0] =	vst.idx.add.f32.msk $0xffff, v7  }
0x216: {  	[tilespmem:v36+s8+$0x0] =	vst.idx.add.f32.msk $0xffff, v60  }
0x217: {  	v3 =	vld.idx.msk [tilespmem:v53+s4+$0x0], $0xffff  }
0x218: {  	v6 =	vld.idx.msk [tilespmem:v56+s4+$0x0], $0xffff  }
0x219: {  	v8 =	vld.idx.msk [tilespmem:v58+s4+$0x0], $0xffff  }
0x21a: {  	v60 =	vld [tilespmem:$0x1FFA0]  }
0x21b: {  	v30 =	vld [tilespmem:s20+$0xFFFFFDB0]  }
0x21c: {  	v31 =	vld [tilespmem:s20+$0xFFFFFDC0]  }
0x21d: {  	v33 =	vld [tilespmem:s20+$0xFFFFFDE0]  }
0x21e: {  	v35 =	vld [tilespmem:s20+$0x180]  }
0x21f: {  	v39 =	vld [tilespmem:s20+$0x1C0]  }
0x220: {  	v49 =	vld [tilespmem:s20+$0x1E0]  }
0x221: {  	v53 =	vld [tilespmem:$0x1FFF0]  }
0x222: {  	v0 =	vld.idx.msk [tilespmem:v50+s4+$0x0], $0xffff  }
0x223: {  	v4 =	vld.idx.msk [tilespmem:v54+s4+$0x0], $0xffff  }
0x224: {  	v24 =	vmax.f32 v61, $0.0e+00;
	v61 =	vld [tilespmem:$0x1FFB0]  }
0x225: {  	v34 =	vld [tilespmem:s20+$0xFFFFFDF0]  }
0x226: {  	v36 =	vld [tilespmem:s20+$0x190]  }
0x227: {  	v50 =	vld [tilespmem:$0x1FFE0]  }
0x228: {  	v12 =	vld.idx.msk [tilespmem:v62+s4+$0x0], $0xffff  }
0x229: {  	[tilespmem:v38+s8+$0x0] =	vst.idx.add.f32.msk $0xffff, v24  }
0x22a: {  	v9 =	vld.idx.msk [tilespmem:v59+s4+$0x0], $0xffff  }
0x22b: {  	v14 =	vld.idx.msk [tilespmem:v25+s4+$0x0], $0xffff  }
0x22c: {  	[tilespmem:v37+s8+$0x0] =	vst.idx.add.f32.msk $0xffff, v15  }
0x22d: {  	v5 =	vld.idx.msk [tilespmem:v55+s4+$0x0], $0xffff  }
0x22e: {  	v38 =	vld [tilespmem:s20+$0x1B0]  }
0x22f: {  	v59 =	vadd.f32 v41, v63;
	v37 =	vld [tilespmem:s20+$0x1A0]  }
0x230: {  	v2 =	vld.idx.msk [tilespmem:v52+s4+$0x0], $0xffff  }
0x231: {  	v1 =	vadd.f32 v27, v1;
	v62 =	vmax.f32 v59, $0.0e+00;
	v7 =	vld.idx.msk [tilespmem:v57+s4+$0x0], $0xffff  }
0x232: {  	v3 =	vadd.f32 v30, v3;
	[tilespmem:v45+s8+$0x0] =	vst.idx.add.f32.msk $0xffff, v62  }
0x233: {  	v6 =	vadd.f32 v33, v6;
	v1 =	vmax.f32 v1, $0.0e+00;
	v10 =	vld.idx.msk [tilespmem:v60+s4+$0x0], $0xffff  }
0x234: {  	v8 =	vadd.f32 v35, v8;
	v3 =	vmax.f32 v3, $0.0e+00;
	[tilespmem:v53+s8+$0x0] =	vst.idx.add.f32.msk $0xffff, v1  }
0x235: {  	v6 =	vmax.f32 v6, $0.0e+00;
	[tilespmem:v23+s8+$0x0] =	vst.idx.add.f32.msk $0xffff, v3  }
0x236: {  	v0 =	vadd.f32 v26, v0;
	v51 =	vmax.f32 v8, $0.0e+00;
	[tilespmem:v28+s8+$0x0] =	vst.idx.add.f32.msk $0xffff, v6  }
0x237: {  	v4 =	vadd.f32 v31, v4;
	[tilespmem:v43+s8+$0x0] =	vst.idx.add.f32.msk $0xffff, v51  }
0x238: {  	v57 =	vadd.f32 v39, v12;
	v0 =	vmax.f32 v0, $0.0e+00;
	v11 =	vld.idx.msk [tilespmem:v61+s4+$0x0], $0xffff  }
0x239: {  	v4 =	vmax.f32 v4, $0.0e+00;
	v9 =	vadd.f32 v36, v9;
	[tilespmem:v50+s8+$0x0] =	vst.idx.add.f32.msk $0xffff, v0  }
0x23a: {  	v5 =	vadd.f32 v32, v5;
	[tilespmem:v20+s8+$0x0] =	vst.idx.add.f32.msk $0xffff, v4;
	v60 =	vmax.f32 v57, $0.0e+00  }
0x23b: {  	v61 =	vadd.f32 v49, v14;
	v54 =	vmax.f32 v9, $0.0e+00;
	[tilespmem:v47+s8+$0x0] =	vst.idx.add.f32.msk $0xffff, v60  }
0x23c: {  	s13 =	sadd.s32 $0x10, s13;
	v5 =	vmax.f32 v5, $0.0e+00;
	[tilespmem:v44+s8+$0x0] =	vst.idx.add.f32.msk $0xffff, v54;
	v2 =	vadd.f32 v29, v2  }
0x23d: {  	p0 =	slt.u32 s13, $0x40;
	v63 =	vmax.f32 v61, $0.0e+00;
	v7 =	vadd.f32 v34, v7;
	[tilespmem:v21+s8+$0x0] =	vst.idx.add.f32.msk $0xffff, v5  }
.Ltmp1:
0x23e: {  	[tilespmem:v40+s8+$0x0] =	vst.idx.add.f32.msk $0xffff, v63;
	v52 =	vadd.f32 v37, v10;
	v2 =	vmax.f32 v2, $0.0e+00;
	(pc) =	sbr.rel @p0 .LBB2_5-.Ltmp1, $4  }
0x23f: {  	v7 =	vmax.f32 v7, $0.0e+00;
	v55 =	vadd.f32 v38, v11;
	[tilespmem:v22+s8+$0x0] =	vst.idx.add.f32.msk $0xffff, v2  }
0x240: {  	v56 =	vmax.f32 v52, $0.0e+00;
	[tilespmem:v42+s8+$0x0] =	vst.idx.add.f32.msk $0xffff, v7  }
0x241: {  	v58 =	vmax.f32 v55, $0.0e+00;
	[tilespmem:v46+s8+$0x0] =	vst.idx.add.f32.msk $0xffff, v56  }
0x242: {  	s14 =	sadd.s32 $0x200, s14;
	[tilespmem:v48+s8+$0x0] =	vst.idx.add.f32.msk $0xffff, v58  }
0x243: {  	p0 =	seq.s32 s11, $0x7C  }
0x244: {  	s12 =	sadd.s32 @!p0 $0x2, s12  }
0x245: {  	s13 =	smul.u32 @!p0 $0xA0, s12;
	_ =	sdelay $0x1  }
0x246: {  	s14 =	simm.s32 @!p0 $0x0;
	s20 =	simm.s32 @!p0 $0x13900;
	s13 =	sadd.s32 @!p0 s3, s13  }
0x247: {  	[tilespmem:s20], [sflag:$0x1] =	stream.linear.gather @!p0 [hbm4b:s13+s14], $0x80, $0x38;
	[tilespmem:$0x19300] =	vst v63  }
0x248: {  	s16 =	simm.s32 @!p0 $0x13A00;
	s20 =	sadd.s32 @!p0 $0x10, s13  }
0x249: {  	[tilespmem:s16], [sflag:$0x1] =	stream.linear.gather @!p0 [hbm4b:s20+s14], $0x80, $0x38;
	[tilespmem:$0x19300] =	vst v63  }
0x24a: {  	s16 =	sadd.s32 @!p0 $0x20, s13;
	s20 =	simm.s32 @!p0 $0x13B00  }
0x24b: {  	[tilespmem:s20], [sflag:$0x1] =	stream.linear.gather @!p0 [hbm4b:s16+s14], $0x80, $0x38;
	[tilespmem:$0x19300] =	vst v63  }
0x24c: {  	s16 =	sadd.s32 @!p0 $0x30, s13;
	s20 =	simm.s32 @!p0 $0x13C00  }
0x24d: {  	[tilespmem:s20], [sflag:$0x1] =	stream.linear.gather @!p0 [hbm4b:s16+s14], $0x80, $0x38;
	[tilespmem:$0x19300] =	vst v63  }
0x24e: {  	s16 =	sadd.s32 @!p0 $0x40, s13;
	s20 =	simm.s32 @!p0 $0x13D00  }
0x24f: {  	[tilespmem:s20], [sflag:$0x1] =	stream.linear.gather @!p0 [hbm4b:s16+s14], $0x80, $0x38;
	[tilespmem:$0x19300] =	vst v63  }
0x250: {  	s16 =	sadd.s32 @!p0 $0x50, s13;
	s20 =	simm.s32 @!p0 $0x13E00  }
0x251: {  	[tilespmem:s20], [sflag:$0x1] =	stream.linear.gather @!p0 [hbm4b:s16+s14], $0x80, $0x38;
	[tilespmem:$0x19300] =	vst v63  }
0x252: {  	s16 =	sadd.s32 @!p0 $0x60, s13;
	s20 =	simm.s32 @!p0 $0x13F00  }
0x253: {  	[tilespmem:s20], [sflag:$0x1] =	stream.linear.gather @!p0 [hbm4b:s16+s14], $0x80, $0x38;
	[tilespmem:$0x19300] =	vst v63  }
0x254: {  	s12 =	smul.u32 @!p0 $0x28000, s12;
	s16 =	sadd.s32 @!p0 $0x70, s13;
	s20 =	simm.s32 @!p0 $0x14000  }
0x255: {  	[tilespmem:s20], [sflag:$0x1] =	stream.linear.gather @!p0 [hbm4b:s16+s14], $0x80, $0x38;
	[tilespmem:$0x19300] =	vst v63  }
0x256: {  	s12 =	sadd.s32 @!p0 s5, s12;
	s16 =	sadd.s32 @!p0 $0x80, s13;
	s20 =	simm.s32 @!p0 $0x14100  }
0x257: {  	[tilespmem:s20], [sflag:$0x1] =	stream.linear.gather @!p0 [hbm4b:s16+s14], $0x80, $0x38;
	[tilespmem:$0x19300] =	vst v63  }
0x258: {  	s12 =	sshrl.u32 @!p0 s12, $0x3;
	s13 =	sadd.s32 @!p0 $0x90, s13;
	s16 =	simm.s32 @!p0 $0x14200  }
0x259: {  	[tilespmem:s16], [sflag:$0x1] =	stream.linear.gather @!p0 [hbm4b:s13+s14], $0x80, $0x38;
	[tilespmem:$0x19300] =	vst v63  }
0x25a: {  	s12 =	sadd.s32 @!p0 s1, s12;
	s13 =	simm.s32 @!p0 $0x14300  }
0x25b: {  	[tilespmem:s13], [sflag:$0x1] =	stream.linear.gather @!p0 [hbm4b:s12+s14], $0x2800, $0x38;
	[tilespmem:$0x19300] =	vst v63  }
0x25c: {  	_ =	swait.ge [sflag:s9], $0x500  }
0x25d: {  	[sflag:s9] =	ssyncset.done $0x0  }
0x25e: {  	[sflag:s9] =	ssyncadd.s32 $0xFFFFFB00  }
0x25f: {  	_ =	swait.ge [sflag:s9], $0x2800  }
0x260: {  	[sflag:s9] =	ssyncset.done $0x0  }
0x261: {  	s20 =	simm.s32 $0x13A80;
	[sflag:s9] =	ssyncadd.s32 $0xFFFFD800  }
0x262: {  	v0 =	vld [tilespmem:s20+$0x70]  }
0x263: {  	v15 =	vld [tilespmem:s20+$0xFFFFFF10]  }
0x264: {  	v16 =	vld [tilespmem:s20+$0xFFFFFF20]  }
0x265: {  	v17 =	vld [tilespmem:s20+$0xFFFFFF30]  }
0x266: {  	v18 =	vld [tilespmem:s20+$0xFFFFFF40]  }
0x267: {  	v19 =	vld [tilespmem:s20+$0xFFFFFF50]  }
0x268: {  	v2 =	vld [tilespmem:s21+$0xFFFFFE80]  }
0x269: {  	v20 =	vld [tilespmem:s20+$0xFFFFFF60]  }
0x26a: {  	v21 =	vld [tilespmem:s20+$0xFFFFFF70]  }
0x26b: {  	v22 =	vld [tilespmem:s20+$0x0]  }
0x26c: {  	v30 =	vld [tilespmem:s20+$0x10]  }
0x26d: {  	v31 =	vld [tilespmem:s20+$0x20]  }
0x26e: {  	v32 =	vld [tilespmem:s20+$0x30]  }
0x26f: {  	v33 =	vld [tilespmem:s20+$0x40]  }
0x270: {  	v34 =	vld [tilespmem:s20+$0x50]  }
0x271: {  	v35 =	vld [tilespmem:s20+$0x60]  }
0x272: {  	v24 =	vld [tilespmem:s20+$0xFFFFFF00];
	v6 =	vand.u32 $0x3FFF, v0  }
0x273: {  	v48 =	vld [tilespmem:s21+$0xFFFFFA10]  }
0x274: {  	v49 =	vld [tilespmem:s21+$0xFFFFFA20]  }
0x275: {  	v50 =	vld [tilespmem:s21+$0xFFFFFA30]  }
0x276: {  	v56 =	vld [tilespmem:s21+$0xFFFFFA40]  }
0x277: {  	v1 =	vld.idx.msk [tilespmem:v6+s4+$0x0], $0xffff  }
0x278: {  	v57 =	vld [tilespmem:s21+$0xFFFFFA50];
	v14 =	vand.u32 $0x3FFF, v15  }
0x279: {  	v59 =	vld [tilespmem:s21+$0xFFFFFA60];
	v12 =	vand.u32 $0x3FFF, v16  }
0x27a: {  	v60 =	vld [tilespmem:s21+$0xFFFFFA70];
	v23 =	vshra.s32 v0, $0xE  }
0x27b: {  	v51 =	vld [tilespmem:s21+$0xFFFFFA80];
	v54 =	vadd.s32 $0x2710, v6  }
0x27c: {  	v63 =	vld [tilespmem:s21+$0xFFFFFE10];
	v1 =	vadd.f32 v2, v1  }
0x27d: {  	v13 =	vand.u32 $0x3FFF, v17;
	v25 =	vld.idx.msk [tilespmem:v14+s4+$0x0], $0xffff  }
0x27e: {  	v11 =	vand.u32 $0x3FFF, v18;
	v27 =	vld.idx.msk [tilespmem:v12+s4+$0x0], $0xffff;
	v1 =	vmax.f32 v1, $0.0e+00  }
0x27f: {  	v4 =	vand.u32 $0x3FFF, v20;
	[tilespmem:v23+s8+$0x0] =	vst.idx.add.f32.msk $0xffff, v1  }
0x280: {  	v9 =	vand.u32 $0x3FFF, v21;
	v0 =	vld.idx.msk [tilespmem:v54+s4+$0x0], $0xffff  }
0x281: {  	v10 =	vand.u32 $0x3FFF, v32;
	v1 =	vld [tilespmem:s21+$0xFFFFFF00]  }
0x282: {  	v5 =	vadd.s32 $0x4E20, v6;
	v29 =	vadd.s32 $0x7530, v6;
	v36 =	vld.idx.msk [tilespmem:v13+s4+$0x0], $0xffff;
	v6 =	vand.u32 $0x3FFF, v33  }
0x283: {  	v37 =	vld.idx.msk [tilespmem:v11+s4+$0x0], $0xffff;
	v2 =	vand.u32 $0x3FFF, v19  }
0x284: {  	v3 =	vadd.s32 $0x2710, v23;
	v39 =	vld.idx.msk [tilespmem:v4+s4+$0x0], $0xffff  }
0x285: {  	v40 =	vld.idx.msk [tilespmem:v9+s4+$0x0], $0xffff  }
0x286: {  	v44 =	vld.idx.msk [tilespmem:v10+s4+$0x0], $0xffff;
	v0 =	vadd.f32 v1, v0  }
0x287: {  	v45 =	vld.idx.msk [tilespmem:v6+s4+$0x0], $0xffff  }
0x288: {  	v38 =	vld.idx.msk [tilespmem:v2+s4+$0x0], $0xffff;
	v1 =	vmax.f32 v0, $0.0e+00  }
0x289: {  	[tilespmem:v3+s8+$0x0] =	vst.idx.add.f32.msk $0xffff, v1  }
0x28a: {  	v0 =	vand.u32 $0x3FFF, v24;
	v7 =	vld.idx.msk [tilespmem:v5+s4+$0x0], $0xffff  }
0x28b: {  	v3 =	vand.u32 $0x3FFF, v30;
	v8 =	vld [tilespmem:s21+$0xFFFFFF80]  }
0x28c: {  	v52 =	vadd.f32 v56, v36;
	v36 =	vld [tilespmem:s21+$0xFFFFFE20];
	v1 =	vand.u32 $0x3FFF, v31  }
0x28d: {  	v54 =	vadd.f32 v57, v37;
	v57 =	vld [tilespmem:s21+$0xFFFFFE60];
	v5 =	vand.u32 $0x3FFF, v22  }
0x28e: {  	v28 =	vadd.s32 $0x4E20, v23;
	v56 =	vadd.f32 v59, v38;
	v59 =	vadd.f32 v60, v39;
	v60 =	vld [tilespmem:s21+$0xFFFFFE70]  }
0x28f: {  	v26 =	vld.idx.msk [tilespmem:v0+s4+$0x0], $0xffff  }
0x290: {  	v42 =	vld.idx.msk [tilespmem:v3+s4+$0x0], $0xffff;
	v7 =	vadd.f32 v8, v7  }
0x291: {  	v43 =	vld.idx.msk [tilespmem:v1+s4+$0x0], $0xffff  }
0x292: {  	v62 =	vadd.f32 v50, v27;
	v27 =	vshra.s32 v17, $0xE;
	v41 =	vld.idx.msk [tilespmem:v5+s4+$0x0], $0xffff;
	v8 =	vmax.f32 v7, $0.0e+00  }
0x293: {  	v17 =	vshra.s32 v30, $0xE;
	v7 =	vand.u32 $0x3FFF, v34;
	[tilespmem:v28+s8+$0x0] =	vst.idx.add.f32.msk $0xffff, v8  }
0x294: {  	v58 =	vadd.f32 v48, v26;
	v26 =	vshra.s32 v16, $0xE;
	v16 =	vmax.f32 v52, $0.0e+00;
	v52 =	vld [tilespmem:s21+$0xFFFFFE30]  }
0x295: {  	v25 =	vadd.f32 v49, v25;
	v8 =	vand.u32 $0x3FFF, v35;
	v28 =	vld.idx.msk [tilespmem:v29+s4+$0x0], $0xffff  }
0x296: {  	v55 =	vld [tilespmem:s21+$0x0];
	v36 =	vadd.f32 v36, v42  }
0x297: {  	v61 =	vmax.f32 v25, $0.0e+00;
	v25 =	vshra.s32 v18, $0xE;
	v18 =	vmax.f32 v56, $0.0e+00;
	[tilespmem:v27+s8+$0x0] =	vst.idx.add.f32.msk $0xffff, v16  }
0x298: {  	v56 =	vadd.s32 $0x2710, v3;
	v63 =	vadd.f32 v63, v41;
	v41 =	vmax.f32 v36, $0.0e+00;
	v46 =	vld.idx.msk [tilespmem:v7+s4+$0x0], $0xffff  }
0x299: {  	[tilespmem:v17+s8+$0x0] =	vst.idx.add.f32.msk $0xffff, v41  }
0x29a: {  	v53 =	vmax.f32 v62, $0.0e+00;
	v47 =	vld.idx.msk [tilespmem:v8+s4+$0x0], $0xffff  }
0x29b: {  	v23 =	vadd.s32 $0x7530, v23;
	[tilespmem:v26+s8+$0x0] =	vst.idx.add.f32.msk $0xffff, v53  }
0x29c: {  	v53 =	vld [tilespmem:s21+$0xFFFFFE40]  }
0x29d: {  	v16 =	vshra.s32 v22, $0xE;
	v39 =	vld.idx.msk [tilespmem:v56+s4+$0x0], $0xffff;
	v28 =	vadd.f32 v55, v28  }
0x29e: {  	v56 =	vld [tilespmem:s21+$0xFFFFFAC0]  }
0x29f: {  	v49 =	vadd.s32 $0x2710, v12;
	v55 =	vld [tilespmem:s21+$0xFFFFFE50];
	v29 =	vmax.f32 v28, $0.0e+00;
	v28 =	vshra.s32 v24, $0xE  }
0x2a0: {  	v22 =	vshra.s32 v32, $0xE;
	v24 =	vmax.f32 v58, $0.0e+00;
	v58 =	vmax.f32 v54, $0.0e+00;
	[tilespmem:v23+s8+$0x0] =	vst.idx.add.f32.msk $0xffff, v29  }
0x2a1: {  	v23 =	vshra.s32 v20, $0xE;
	[tilespmem:v25+s8+$0x0] =	vst.idx.add.f32.msk $0xffff, v58;
	v20 =	vmax.f32 v63, $0.0e+00;
	v48 =	vadd.f32 v60, v47  }
0x2a2: {  	v42 =	vadd.f32 v53, v44;
	[tilespmem:v16+s8+$0x0] =	vst.idx.add.f32.msk $0xffff, v20  }
0x2a3: {  	v29 =	vshra.s32 v15, $0xE;
	v20 =	vshra.s32 v35, $0xE;
	v35 =	vmax.f32 v48, $0.0e+00;
	v48 =	vld [tilespmem:s21+$0xFFFFFE90]  }
0x2a4: {  	v15 =	vshra.s32 v21, $0xE;
	v21 =	vshra.s32 v31, $0xE;
	v31 =	vmax.f32 v42, $0.0e+00;
	[tilespmem:v28+s8+$0x0] =	vst.idx.add.f32.msk $0xffff, v24  }
0x2a5: {  	[tilespmem:v22+s8+$0x0] =	vst.idx.add.f32.msk $0xffff, v31  }
0x2a6: {  	v58 =	vadd.s32 $0x2710, v10;
	v31 =	vld.idx.msk [tilespmem:v49+s4+$0x0], $0xffff  }
0x2a7: {  	v49 =	vld [tilespmem:s21+$0xFFFFFEA0]  }
0x2a8: {  	v62 =	vmax.f32 v59, $0.0e+00;
	[tilespmem:v29+s8+$0x0] =	vst.idx.add.f32.msk $0xffff, v61  }
0x2a9: {  	v53 =	vadd.s32 $0x2710, v4;
	[tilespmem:v23+s8+$0x0] =	vst.idx.add.f32.msk $0xffff, v62  }
0x2aa: {  	v60 =	vld [tilespmem:s21+$0xFFFFFA90]  }
0x2ab: {  	v41 =	vld.idx.msk [tilespmem:v58+s4+$0x0], $0xffff  }
0x2ac: {  	v58 =	vld [tilespmem:s21+$0xFFFFFAD0]  }
0x2ad: {  	v44 =	vadd.s32 $0x2710, v0;
	v61 =	vadd.f32 v51, v40;
	[tilespmem:v20+s8+$0x0] =	vst.idx.add.f32.msk $0xffff, v35  }
0x2ae: {  	v24 =	vshra.s32 v19, $0xE;
	v40 =	vadd.f32 v52, v43;
	v36 =	vld.idx.msk [tilespmem:v53+s4+$0x0], $0xffff  }
0x2af: {  	v19 =	vshra.s32 v34, $0xE;
	v63 =	vld [tilespmem:s21+$0xFFFFFAA0];
	v30 =	vmax.f32 v61, $0.0e+00  }
0x2b0: {  	v54 =	vadd.s32 $0x2710, v9;
	v32 =	vmax.f32 v40, $0.0e+00;
	[tilespmem:v15+s8+$0x0] =	vst.idx.add.f32.msk $0xffff, v30  }
0x2b1: {  	v43 =	vadd.f32 v55, v45;
	v45 =	vadd.f32 v57, v46;
	[tilespmem:v21+s8+$0x0] =	vst.idx.add.f32.msk $0xffff, v32  }
0x2b2: {  	v46 =	vadd.s32 $0x2710, v14;
	v30 =	vld.idx.msk [tilespmem:v44+s4+$0x0], $0xffff  }
0x2b3: {  	v51 =	vadd.s32 $0x2710, v11;
	v34 =	vmax.f32 v45, $0.0e+00;
	[tilespmem:v24+s8+$0x0] =	vst.idx.add.f32.msk $0xffff, v18  }
0x2b4: {  	v52 =	vadd.s32 $0x2710, v2;
	[tilespmem:v19+s8+$0x0] =	vst.idx.add.f32.msk $0xffff, v34  }
0x2b5: {  	v55 =	vadd.s32 $0x2710, v5;
	v37 =	vld.idx.msk [tilespmem:v54+s4+$0x0], $0xffff  }
0x2b6: {  	v57 =	vadd.s32 $0x2710, v1;
	v54 =	vld [tilespmem:s21+$0xFFFFFAB0]  }
0x2b7: {  	v32 =	vld.idx.msk [tilespmem:v46+s4+$0x0], $0xffff  }
0x2b8: {  	v61 =	vadd.s32 $0x2710, v7;
	v34 =	vld.idx.msk [tilespmem:v51+s4+$0x0], $0xffff  }
0x2b9: {  	v35 =	vld.idx.msk [tilespmem:v52+s4+$0x0], $0xffff  }
0x2ba: {  	v18 =	vshra.s32 v33, $0xE;
	v38 =	vld.idx.msk [tilespmem:v55+s4+$0x0], $0xffff  }
0x2bb: {  	v50 =	vadd.s32 $0x2710, v13;
	v40 =	vld.idx.msk [tilespmem:v57+s4+$0x0], $0xffff  }
0x2bc: {  	v59 =	vadd.s32 $0x2710, v6;
	v51 =	vld [tilespmem:s21+$0xFFFFFEB0]  }
0x2bd: {  	v52 =	vadd.s32 $0x2710, v8;
	v44 =	vld.idx.msk [tilespmem:v61+s4+$0x0], $0xffff  }
0x2be: {  	v33 =	vmax.f32 v43, $0.0e+00;
	v61 =	vld [tilespmem:s21+$0xFFFFFAF0]  }
0x2bf: {  	[tilespmem:v18+s8+$0x0] =	vst.idx.add.f32.msk $0xffff, v33  }
0x2c0: {  	v33 =	vld.idx.msk [tilespmem:v50+s4+$0x0], $0xffff  }
0x2c1: {  	v62 =	vadd.s32 $0x2710, v28;
	v42 =	vld.idx.msk [tilespmem:v59+s4+$0x0], $0xffff  }
0x2c2: {  	v46 =	vld.idx.msk [tilespmem:v52+s4+$0x0], $0xffff  }
0x2c3: {  	v55 =	vadd.s32 $0x2710, v26;
	v30 =	vadd.f32 v60, v30;
	v59 =	vld [tilespmem:s21+$0xFFFFFAE0]  }
0x2c4: {  	v53 =	vadd.s32 $0x2710, v29;
	v52 =	vld [tilespmem:s21+$0xFFFFFEC0]  }
0x2c5: {  	v31 =	vadd.f32 v54, v31;
	v30 =	vmax.f32 v30, $0.0e+00;
	v34 =	vadd.f32 v58, v34;
	v58 =	vld [tilespmem:s21+$0xFFFFFEE0]  }
0x2c6: {  	v60 =	vadd.s32 $0x2710, v25;
	[tilespmem:v62+s8+$0x0] =	vst.idx.add.f32.msk $0xffff, v30  }
0x2c7: {  	v32 =	vadd.f32 v63, v32;
	v31 =	vmax.f32 v31, $0.0e+00;
	v62 =	vld [tilespmem:s21+$0xFFFFFB00]  }
0x2c8: {  	v50 =	vadd.s32 $0x2710, v23;
	[tilespmem:v55+s8+$0x0] =	vst.idx.add.f32.msk $0xffff, v31  }
0x2c9: {  	v57 =	vadd.s32 $0x2710, v27;
	v32 =	vmax.f32 v32, $0.0e+00;
	v55 =	vld [tilespmem:s21+$0xFFFFFED0]  }
0x2ca: {  	v34 =	vmax.f32 v34, $0.0e+00;
	v31 =	vadd.f32 v61, v36;
	[tilespmem:v53+s8+$0x0] =	vst.idx.add.f32.msk $0xffff, v32  }
0x2cb: {  	v63 =	vadd.s32 $0x2710, v24;
	[tilespmem:v60+s8+$0x0] =	vst.idx.add.f32.msk $0xffff, v34;
	v33 =	vadd.f32 v56, v33  }
0x2cc: {  	v30 =	vadd.f32 v51, v40;
	v60 =	vld [tilespmem:s21+$0xFFFFFEF0];
	v31 =	vmax.f32 v31, $0.0e+00  }
0x2cd: {  	v53 =	vadd.s32 $0x2710, v15;
	v35 =	vadd.f32 v59, v35;
	[tilespmem:v50+s8+$0x0] =	vst.idx.add.f32.msk $0xffff, v31;
	v33 =	vmax.f32 v33, $0.0e+00  }
0x2ce: {  	v56 =	vadd.s32 $0x2710, v17;
	v37 =	vadd.f32 v62, v37;
	v62 =	vadd.f32 v52, v41;
	[tilespmem:v57+s8+$0x0] =	vst.idx.add.f32.msk $0xffff, v33  }
0x2cf: {  	v35 =	vmax.f32 v35, $0.0e+00;
	v40 =	vadd.f32 v55, v42;
	v42 =	vadd.f32 v58, v44;
	v58 =	vld [tilespmem:s21+$0xFFFFFB30]  }
0x2d0: {  	v39 =	vadd.f32 v49, v39;
	[tilespmem:v63+s8+$0x0] =	vst.idx.add.f32.msk $0xffff, v35  }
0x2d1: {  	v54 =	vadd.s32 $0x2710, v16;
	v37 =	vmax.f32 v37, $0.0e+00;
	v32 =	vmax.f32 v62, $0.0e+00;
	v62 =	vld [tilespmem:s21+$0xFFFFFB40]  }
0x2d2: {  	v39 =	vmax.f32 v39, $0.0e+00;
	v59 =	vadd.s32 $0x2710, v22;
	[tilespmem:v53+s8+$0x0] =	vst.idx.add.f32.msk $0xffff, v37  }
0x2d3: {  	v61 =	vadd.s32 $0x2710, v18;
	v33 =	vadd.f32 v48, v38;
	[tilespmem:v56+s8+$0x0] =	vst.idx.add.f32.msk $0xffff, v39  }
0x2d4: {  	v47 =	vadd.s32 $0x4E20, v14;
	v53 =	vld [tilespmem:s21+$0xFFFFFB10]  }
0x2d5: {  	v41 =	vadd.s32 $0x2710, v20;
	v33 =	vmax.f32 v33, $0.0e+00;
	v56 =	vld [tilespmem:s21+$0xFFFFFB20]  }
0x2d6: {  	v50 =	vadd.s32 $0x4E20, v13;
	[tilespmem:v54+s8+$0x0] =	vst.idx.add.f32.msk $0xffff, v33  }
0x2d7: {  	v52 =	vadd.s32 $0x4E20, v11;
	v46 =	vadd.f32 v60, v46;
	v45 =	vmax.f32 v40, $0.0e+00;
	[tilespmem:v59+s8+$0x0] =	vst.idx.add.f32.msk $0xffff, v32  }
0x2d8: {  	v57 =	vadd.s32 $0x2710, v21;
	[tilespmem:v61+s8+$0x0] =	vst.idx.add.f32.msk $0xffff, v45  }
0x2d9: {  	v44 =	vadd.s32 $0x4E20, v0;
	v31 =	vmax.f32 v46, $0.0e+00;
	v32 =	vld.idx.msk [tilespmem:v47+s4+$0x0], $0xffff  }
0x2da: {  	v49 =	vadd.s32 $0x4E20, v12;
	[tilespmem:v41+s8+$0x0] =	vst.idx.add.f32.msk $0xffff, v31  }
0x2db: {  	v31 =	vld.idx.msk [tilespmem:v50+s4+$0x0], $0xffff  }
0x2dc: {  	v30 =	vmax.f32 v30, $0.0e+00;
	v63 =	vadd.s32 $0x2710, v19;
	v34 =	vld.idx.msk [tilespmem:v52+s4+$0x0], $0xffff  }
0x2dd: {  	[tilespmem:v57+s8+$0x0] =	vst.idx.add.f32.msk $0xffff, v30  }
0x2de: {  	v60 =	vadd.s32 $0x4E20, v9;
	v51 =	vld.idx.msk [tilespmem:v44+s4+$0x0], $0xffff  }
0x2df: {  	v54 =	vadd.s32 $0x4E20, v2;
	v30 =	vld.idx.msk [tilespmem:v49+s4+$0x0], $0xffff  }
0x2e0: {  	v48 =	vmax.f32 v42, $0.0e+00;
	v59 =	vadd.s32 $0x4E20, v4;
	v49 =	vld [tilespmem:s21+$0xFFFFFB60]  }
0x2e1: {  	[tilespmem:v63+s8+$0x0] =	vst.idx.add.f32.msk $0xffff, v48  }
0x2e2: {  	v63 =	vld [tilespmem:s21+$0xFFFFFB50]  }
0x2e3: {  	v46 =	vadd.s32 $0x4E20, v5;
	v47 =	vld.idx.msk [tilespmem:v60+s4+$0x0], $0xffff  }
0x2e4: {  	v57 =	vadd.s32 $0x4E20, v29;
	v36 =	vld.idx.msk [tilespmem:v54+s4+$0x0], $0xffff  }
0x2e5: {  	v45 =	vld.idx.msk [tilespmem:v59+s4+$0x0], $0xffff  }
0x2e6: {  	v32 =	vadd.f32 v56, v32;
	v56 =	vld [tilespmem:s21+$0xFFFFFB80]  }
0x2e7: {  	v44 =	vadd.s32 $0x4E20, v27;
	v33 =	vadd.f32 v53, v51;
	v51 =	vld [tilespmem:s21+$0xFFFFFB70]  }
0x2e8: {  	v32 =	vmax.f32 v32, $0.0e+00;
	v53 =	vld.idx.msk [tilespmem:v46+s4+$0x0], $0xffff  }
0x2e9: {  	v14 =	vadd.s32 $0x7530, v14;
	v31 =	vadd.f32 v62, v31;
	[tilespmem:v57+s8+$0x0] =	vst.idx.add.f32.msk $0xffff, v32  }
0x2ea: {  	v55 =	vadd.s32 $0x4E20, v28;
	v57 =	vld [tilespmem:s21+$0xFFFFFF10]  }
0x2eb: {  	v61 =	vadd.s32 $0x4E20, v26;
	v34 =	vadd.f32 v63, v34;
	v31 =	vmax.f32 v31, $0.0e+00;
	v63 =	vld [tilespmem:s21+$0xFFFFFF20]  }
0x2ec: {  	v50 =	vadd.s32 $0x4E20, v3;
	[tilespmem:v44+s8+$0x0] =	vst.idx.add.f32.msk $0xffff, v31  }
0x2ed: {  	v54 =	vadd.s32 $0x4E20, v1;
	v30 =	vadd.f32 v58, v30;
	v44 =	vld [tilespmem:s21+$0xFFFFFF30]  }
0x2ee: {  	v33 =	vmax.f32 v33, $0.0e+00;
	v14 =	vld.idx.msk [tilespmem:v14+s4+$0x0], $0xffff  }
0x2ef: {  	v30 =	vmax.f32 v30, $0.0e+00;
	[tilespmem:v55+s8+$0x0] =	vst.idx.add.f32.msk $0xffff, v33  }
0x2f0: {  	[tilespmem:v61+s8+$0x0] =	vst.idx.add.f32.msk $0xffff, v30  }
0x2f1: {  	v13 =	vadd.s32 $0x7530, v13;
	v33 =	vld.idx.msk [tilespmem:v50+s4+$0x0], $0xffff  }
0x2f2: {  	v48 =	vadd.s32 $0x4E20, v25;
	v60 =	vld.idx.msk [tilespmem:v54+s4+$0x0], $0xffff  }
0x2f3: {  	v0 =	vadd.s32 $0x7530, v0;
	v50 =	vld [tilespmem:s21+$0xFFFFFF40]  }
0x2f4: {  	v12 =	vadd.s32 $0x7530, v12;
	v54 =	vld [tilespmem:s21+$0xFFFFFF60]  }
0x2f5: {  	v37 =	vadd.f32 v56, v47;
	v56 =	vld [tilespmem:s21+$0xFFFFFF70]  }
0x2f6: {  	v11 =	vadd.s32 $0x7530, v11;
	v34 =	vmax.f32 v34, $0.0e+00;
	v13 =	vld.idx.msk [tilespmem:v13+s4+$0x0], $0xffff  }
0x2f7: {  	v52 =	vadd.s32 $0x4E20, v24;
	[tilespmem:v48+s8+$0x0] =	vst.idx.add.f32.msk $0xffff, v34  }
0x2f8: {  	v58 =	vadd.s32 $0x4E20, v15;
	v0 =	vld.idx.msk [tilespmem:v0+s4+$0x0], $0xffff  }
0x2f9: {  	v59 =	vadd.s32 $0x4E20, v10;
	v30 =	vadd.f32 v49, v36;
	v12 =	vld.idx.msk [tilespmem:v12+s4+$0x0], $0xffff  }
0x2fa: {  	v35 =	vadd.f32 v51, v45;
	v51 =	vld [tilespmem:s21+$0xFFFFFF50]  }
0x2fb: {  	v30 =	vmax.f32 v30, $0.0e+00;
	v11 =	vld.idx.msk [tilespmem:v11+s4+$0x0], $0xffff  }
0x2fc: {  	v2 =	vadd.s32 $0x7530, v2;
	v37 =	vmax.f32 v37, $0.0e+00;
	[tilespmem:v52+s8+$0x0] =	vst.idx.add.f32.msk $0xffff, v30  }
0x2fd: {  	v9 =	vadd.s32 $0x7530, v9;
	[tilespmem:v58+s8+$0x0] =	vst.idx.add.f32.msk $0xffff, v37  }
0x2fe: {  	v30 =	vld.idx.msk [tilespmem:v59+s4+$0x0], $0xffff  }
0x2ff: {  	v32 =	vadd.f32 v57, v53;
	v57 =	vld [tilespmem:s21+$0xFFFFFB90]  }
0x300: {  	v55 =	vadd.s32 $0x4E20, v23;
	v59 =	vld [tilespmem:s21+$0xFFFFFBA0]  }
0x301: {  	v61 =	vadd.s32 $0x4E20, v6;
	v2 =	vld.idx.msk [tilespmem:v2+s4+$0x0], $0xffff  }
0x302: {  	v9 =	vld.idx.msk [tilespmem:v9+s4+$0x0], $0xffff  }
0x303: {  	v62 =	vadd.s32 $0x4E20, v16;
	v38 =	vld [tilespmem:s21+$0xFFFFFBE0]  }
0x304: {  	v48 =	vadd.s32 $0x4E20, v7;
	v35 =	vmax.f32 v35, $0.0e+00;
	v42 =	vld [tilespmem:s21+$0xFFFFFC00]  }
0x305: {  	v49 =	vadd.s32 $0x4E20, v8;
	[tilespmem:v55+s8+$0x0] =	vst.idx.add.f32.msk $0xffff, v35  }
0x306: {  	v47 =	vld.idx.msk [tilespmem:v61+s4+$0x0], $0xffff  }
0x307: {  	v4 =	vadd.s32 $0x7530, v4;
	v32 =	vmax.f32 v32, $0.0e+00;
	v61 =	vld [tilespmem:s21+$0xFFFFFBB0]  }
0x308: {  	[tilespmem:v62+s8+$0x0] =	vst.idx.add.f32.msk $0xffff, v32  }
0x309: {  	v5 =	vadd.s32 $0x7530, v5;
	v35 =	vld.idx.msk [tilespmem:v48+s4+$0x0], $0xffff  }
0x30a: {  	v32 =	vld.idx.msk [tilespmem:v49+s4+$0x0], $0xffff  }
0x30b: {  	v45 =	vadd.s32 $0x4E20, v17;
	v62 =	vld [tilespmem:s21+$0xFFFFFBC0]  }
0x30c: {  	v46 =	vadd.s32 $0x4E20, v21;
	v4 =	vld.idx.msk [tilespmem:v4+s4+$0x0], $0xffff  }
0x30d: {  	v33 =	vadd.f32 v63, v33;
	v40 =	vld [tilespmem:s21+$0xFFFFFBF0]  }
0x30e: {  	v1 =	vadd.s32 $0x7530, v1;
	v31 =	vadd.f32 v44, v60;
	v5 =	vld.idx.msk [tilespmem:v5+s4+$0x0], $0xffff  }
0x30f: {  	v33 =	vmax.f32 v33, $0.0e+00;
	v43 =	vld [tilespmem:s21+$0xFFFFFF90]  }
0x310: {  	v31 =	vmax.f32 v31, $0.0e+00;
	[tilespmem:v45+s8+$0x0] =	vst.idx.add.f32.msk $0xffff, v33  }
0x311: {  	v52 =	vadd.s32 $0x4E20, v22;
	[tilespmem:v46+s8+$0x0] =	vst.idx.add.f32.msk $0xffff, v31  }
0x312: {  	v28 =	vadd.s32 $0x7530, v28;
	v33 =	vld [tilespmem:s21+$0xFFFFFBD0]  }
0x313: {  	v29 =	vadd.s32 $0x7530, v29;
	v30 =	vadd.f32 v50, v30;
	v1 =	vld.idx.msk [tilespmem:v1+s4+$0x0], $0xffff  }
0x314: {  	v10 =	vadd.s32 $0x7530, v10;
	v0 =	vadd.f32 v57, v0;
	v44 =	vld [tilespmem:s21+$0xFFFFFFA0]  }
0x315: {  	v39 =	vadd.s32 $0x7530, v24;
	v14 =	vadd.f32 v59, v14;
	v46 =	vld [tilespmem:s21+$0xFFFFFFB0];
	v30 =	vmax.f32 v30, $0.0e+00  }
0x316: {  	v0 =	vmax.f32 v0, $0.0e+00;
	[tilespmem:v52+s8+$0x0] =	vst.idx.add.f32.msk $0xffff, v30  }
0x317: {  	v53 =	vadd.s32 $0x4E20, v18;
	v2 =	vadd.f32 v38, v2;
	v14 =	vmax.f32 v14, $0.0e+00;
	[tilespmem:v28+s8+$0x0] =	vst.idx.add.f32.msk $0xffff, v0  }
0x318: {  	v26 =	vadd.s32 $0x7530, v26;
	[tilespmem:v29+s8+$0x0] =	vst.idx.add.f32.msk $0xffff, v14  }
0x319: {  	v45 =	vadd.s32 $0x7530, v15;
	v55 =	vadd.f32 v51, v47;
	v2 =	vmax.f32 v2, $0.0e+00;
	v10 =	vld.idx.msk [tilespmem:v10+s4+$0x0], $0xffff  }
0x31a: {  	v58 =	vadd.s32 $0x4E20, v19;
	v12 =	vadd.f32 v61, v12;
	[tilespmem:v39+s8+$0x0] =	vst.idx.add.f32.msk $0xffff, v2  }
0x31b: {  	v60 =	vadd.s32 $0x4E20, v20;
	v9 =	vadd.f32 v42, v9;
	v36 =	vmax.f32 v55, $0.0e+00;
	v48 =	vld [tilespmem:s21+$0xFFFFFFC0]  }
0x31c: {  	v6 =	vadd.s32 $0x7530, v6;
	v34 =	vadd.f32 v54, v35;
	v12 =	vmax.f32 v12, $0.0e+00;
	[tilespmem:v53+s8+$0x0] =	vst.idx.add.f32.msk $0xffff, v36  }
0x31d: {  	v41 =	vadd.s32 $0x7530, v23;
	v32 =	vadd.f32 v56, v32;
	v9 =	vmax.f32 v9, $0.0e+00;
	[tilespmem:v26+s8+$0x0] =	vst.idx.add.f32.msk $0xffff, v12  }
0x31e: {  	v34 =	vmax.f32 v34, $0.0e+00;
	[tilespmem:v45+s8+$0x0] =	vst.idx.add.f32.msk $0xffff, v9  }
0x31f: {  	v37 =	vadd.s32 $0x7530, v7;
	v4 =	vadd.f32 v40, v4;
	v63 =	vmax.f32 v32, $0.0e+00;
	[tilespmem:v58+s8+$0x0] =	vst.idx.add.f32.msk $0xffff, v34  }
0x320: {  	v8 =	vadd.s32 $0x7530, v8;
	[tilespmem:v60+s8+$0x0] =	vst.idx.add.f32.msk $0xffff, v63  }
0x321: {  	v4 =	vmax.f32 v4, $0.0e+00;
	v6 =	vld.idx.msk [tilespmem:v6+s4+$0x0], $0xffff  }
0x322: {  	[tilespmem:v41+s8+$0x0] =	vst.idx.add.f32.msk $0xffff, v4  }
0x323: {  	v35 =	vadd.s32 $0x7530, v3;
	v50 =	vld [tilespmem:s21+$0xFFFFFFD0]  }
0x324: {  	v47 =	vadd.s32 $0x7530, v16;
	v3 =	vld.idx.msk [tilespmem:v37+s4+$0x0], $0xffff  }
0x325: {  	v51 =	vadd.s32 $0x7530, v21;
	v8 =	vld.idx.msk [tilespmem:v8+s4+$0x0], $0xffff  }
0x326: {  	v2 =	vadd.f32 v43, v5;
	v32 =	vadd.s32 $0x7530, v27;
	v52 =	vld [tilespmem:s21+$0xFFFFFFE0]  }
0x327: {  	v36 =	vadd.s32 $0x7530, v25;
	v1 =	vadd.f32 v46, v1;
	v54 =	vld [tilespmem:s21+$0xFFFFFFF0]  }
0x328: {  	v13 =	vadd.f32 v62, v13;
	v53 =	vadd.s32 $0x7530, v22;
	v2 =	vmax.f32 v2, $0.0e+00;
	v0 =	vld.idx.msk [tilespmem:v35+s4+$0x0], $0xffff  }
0x329: {  	v57 =	vadd.s32 $0x7530, v19;
	v11 =	vadd.f32 v33, v11;
	[tilespmem:v47+s8+$0x0] =	vst.idx.add.f32.msk $0xffff, v2;
	v1 =	vmax.f32 v1, $0.0e+00  }
0x32a: {  	v59 =	vadd.s32 $0x7530, v20;
	v34 =	vmax.f32 v13, $0.0e+00;
	v56 =	vadd.f32 v48, v10;
	[tilespmem:v51+s8+$0x0] =	vst.idx.add.f32.msk $0xffff, v1  }
0x32b: {  	v49 =	vadd.s32 $0x7530, v17;
	v11 =	vmax.f32 v11, $0.0e+00;
	[tilespmem:v32+s8+$0x0] =	vst.idx.add.f32.msk $0xffff, v34;
	v60 =	vadd.f32 v52, v3  }
0x32c: {  	v55 =	vadd.s32 $0x7530, v18;
	[tilespmem:v36+s8+$0x0] =	vst.idx.add.f32.msk $0xffff, v11;
	v2 =	vmax.f32 v56, $0.0e+00;
	v61 =	vadd.f32 v54, v8  }
0x32d: {  	[tilespmem:v53+s8+$0x0] =	vst.idx.add.f32.msk $0xffff, v2;
	v0 =	vadd.f32 v44, v0;
	v62 =	vmax.f32 v60, $0.0e+00  }
0x32e: {  	v58 =	vadd.f32 v50, v6;
	v63 =	vmax.f32 v61, $0.0e+00;
	[tilespmem:v57+s8+$0x0] =	vst.idx.add.f32.msk $0xffff, v62  }
0x32f: {  	v0 =	vmax.f32 v0, $0.0e+00;
	[tilespmem:v59+s8+$0x0] =	vst.idx.add.f32.msk $0xffff, v63  }
0x330: {  	[tilespmem:v49+s8+$0x0] =	vst.idx.add.f32.msk $0xffff, v0;
	v0 =	vmax.f32 v58, $0.0e+00  }
0x331: {  	s12 =	simm.s32 $0x0;
	s13 =	simm.s32 $0x13C80;
	s14 =	smov.u32 s21;
	[tilespmem:v55+s8+$0x0] =	vst.idx.add.f32.msk $0xffff, v0  }
.LBB2_7:
0x332: {  	v0 =	vld [tilespmem:s13+$0x70]  }
0x333: {  	v1 =	vld [tilespmem:s13+$0xFFFFFF10]  }
0x334: {  	v2 =	vld [tilespmem:s13+$0xFFFFFF20]  }
0x335: {  	v3 =	vld [tilespmem:s13+$0xFFFFFF30]  }
0x336: {  	v5 =	vld [tilespmem:s13+$0xFFFFFF40]  }
0x337: {  	v6 =	vld [tilespmem:s13+$0xFFFFFF50]  }
0x338: {  	v13 =	vld [tilespmem:s13+$0x0];
	v23 =	vand.u32 $0x3FFF, v1  }
0x339: {  	v31 =	vld [tilespmem:s13+$0xFFFFFF00];
	v22 =	vand.u32 $0x3FFF, v2;
	v4 =	vadd.s32 $0x2710, v23  }
0x33a: {  	v51 =	vld [tilespmem:s13+$0xFFFFFF60];
	v21 =	vand.u32 $0x3FFF, v3;
	v53 =	vadd.s32 $0x2710, v22;
	[tilespmem:$0x1F840] =	vst v4  }
0x33b: {  	v52 =	vld [tilespmem:s13+$0xFFFFFF70];
	v39 =	vshra.s32 v1, $0xE;
	v54 =	vadd.s32 $0x2710, v21;
	[tilespmem:$0x1F850] =	vst v53  }
0x33c: {  	v15 =	vld [tilespmem:s13+$0x20];
	v10 =	vand.u32 $0x3FFF, v0;
	v38 =	vshra.s32 v2, $0xE;
	v40 =	vadd.s32 $0x2710, v39;
	[tilespmem:$0x1F860] =	vst v54  }
0x33d: {  	v35 =	vld [tilespmem:s13+$0x30];
	v37 =	vshra.s32 v3, $0xE;
	v11 =	vand.u32 $0x3FFF, v13;
	v41 =	vadd.s32 $0x2710, v38;
	[tilespmem:$0x1F880] =	vst v40  }
0x33e: {  	v28 =	vld [tilespmem:s13+$0x50];
	v27 =	vshra.s32 v13, $0xE;
	v13 =	vshra.s32 v31, $0xE;
	v42 =	vadd.s32 $0x2710, v37;
	[tilespmem:$0x1F890] =	vst v41  }
0x33f: {  	v20 =	vand.u32 $0x3FFF, v5;
	v36 =	vshra.s32 v5, $0xE;
	v44 =	vadd.s32 $0x2710, v13;
	[tilespmem:$0x1F8A0] =	vst v42  }
0x340: {  	v34 =	vshra.s32 v6, $0xE;
	v33 =	vshra.s32 v51, $0xE;
	v45 =	vadd.s32 $0x2710, v36;
	[tilespmem:$0x1F870] =	vst v44  }
0x341: {  	v55 =	vld [tilespmem:s13+$0x10];
	s14 =	sadd.s32 $0x800, s14;
	v32 =	vshra.s32 v52, $0xE;
	v8 =	vand.u32 $0x3FFF, v15;
	v47 =	vadd.s32 $0x2710, v34;
	[tilespmem:$0x1F8B0] =	vst v45  }
0x342: {  	v7 =	vld [tilespmem:s14+$0xFFFFFE80];
	v25 =	vshra.s32 v15, $0xE;
	v24 =	vshra.s32 v35, $0xE;
	v60 =	vadd.s32 $0x2710, v33;
	[tilespmem:$0x1F8C0] =	vst v47  }
0x343: {  	v5 =	vand.u32 $0x3FFF, v28;
	v15 =	vshra.s32 v28, $0xE;
	v28 =	vadd.s32 $0x2710, v32;
	[tilespmem:$0x1F8D0] =	vst v60;
	v14 =	vld.idx.msk [tilespmem:v10+s4+$0x0], $0xffff  }
0x344: {  	v1 =	vand.u32 $0x3FFF, v31;
	v31 =	vadd.s32 $0x2710, v24;
	[tilespmem:$0x1F8E0] =	vst v28  }
0x345: {  	[tilespmem:$0x1F910] =	vst v31;
	v40 =	vadd.s32 $0x2710, v15  }
0x346: {  	v30 =	vld [tilespmem:s13+$0x60];
	v12 =	vshra.s32 v0, $0xE;
	v31 =	vadd.s32 $0x4E20, v22;
	[tilespmem:$0x1F930] =	vst v40  }
0x347: {  	v9 =	vand.u32 $0x3FFF, v55;
	[tilespmem:$0x1F960] =	vst v31;
	v40 =	vadd.s32 $0x4E20, v20  }
0x348: {  	v31 =	vadd.s32 $0x4E20, v9;
	[tilespmem:$0x1F980] =	vst v40;
	v14 =	vadd.f32 v7, v14  }
0x349: {  	v29 =	vadd.s32 $0x2710, v10;
	[tilespmem:$0x1F9D0] =	vst v31;
	v31 =	vadd.s32 $0x4E20, v13  }
0x34a: {  	v26 =	vshra.s32 v55, $0xE;
	[tilespmem:$0x1FA30] =	vst v31;
	v43 =	vmax.f32 v14, $0.0e+00  }
0x34b: {  	v4 =	vand.u32 $0x3FFF, v30;
	v14 =	vshra.s32 v30, $0xE;
	v30 =	vadd.s32 $0x2710, v26;
	[tilespmem:v12+s8+$0x0] =	vst.idx.add.f32.msk $0xffff, v43  }
0x34c: {  	[tilespmem:$0x1F900] =	vst v30;
	v41 =	vadd.s32 $0x2710, v14  }
0x34d: {  	v16 =	vld [tilespmem:s13+$0x40];
	v30 =	vadd.s32 $0x4E20, v23;
	[tilespmem:$0x1F940] =	vst v41  }
0x34e: {  	v19 =	vand.u32 $0x3FFF, v6;
	v7 =	vand.u32 $0x3FFF, v35;
	v35 =	vld.idx.msk [tilespmem:v29+s4+$0x0], $0xffff;
	v29 =	vadd.s32 $0x2710, v27;
	[tilespmem:$0x1F950] =	vst v30  }
0x34f: {  	v41 =	vadd.s32 $0x4E20, v19;
	[tilespmem:$0x1F8F0] =	vst v29  }
0x350: {  	v55 =	vld [tilespmem:s14+$0xFFFFFF00];
	v30 =	vadd.s32 $0x4E20, v11;
	[tilespmem:$0x1F990] =	vst v41  }
0x351: {  	v56 =	vadd.s32 $0x2710, v11;
	v40 =	vld.idx.msk [tilespmem:v11+s4+$0x0], $0xffff;
	v11 =	vadd.s32 $0x7530, v11;
	[tilespmem:$0x1F9C0] =	vst v30  }
0x352: {  	v41 =	vadd.s32 $0x4E20, v7;
	[tilespmem:$0x1FBA0] =	vst v11  }
0x353: {  	v6 =	vand.u32 $0x3FFF, v16;
	v62 =	vadd.s32 $0x2710, v12;
	v30 =	vadd.s32 $0x4E20, v4;
	[tilespmem:$0x1F9F0] =	vst v41  }
0x354: {  	v16 =	vshra.s32 v16, $0xE;
	v53 =	vadd.s32 $0x2710, v7;
	v31 =	vld.idx.msk [tilespmem:v7+s4+$0x0], $0xffff;
	v7 =	vadd.s32 $0x7530, v7;
	[tilespmem:$0x1FA20] =	vst v30  }
0x355: {  	[tilespmem:$0x1FBD0] =	vst v7;
	v60 =	vadd.f32 v55, v35;
	v35 =	vadd.s32 $0x2710, v16  }
0x356: {  	[tilespmem:$0x1F920] =	vst v35;
	v35 =	vadd.s32 $0x4E20, v21  }
0x357: {  	v29 =	vmax.f32 v60, $0.0e+00;
	[tilespmem:$0x1F970] =	vst v35  }
0x358: {  	v18 =	vand.u32 $0x3FFF, v51;
	v35 =	vadd.s32 $0x4E20, v8;
	[tilespmem:v62+s8+$0x0] =	vst.idx.add.f32.msk $0xffff, v29  }
0x359: {  	v17 =	vand.u32 $0x3FFF, v52;
	v48 =	vld.idx.msk [tilespmem:v23+s4+$0x0], $0xffff;
	v62 =	vadd.s32 $0x4E20, v18;
	[tilespmem:$0x1F9E0] =	vst v35  }
0x35a: {  	v42 =	vld.idx.msk [tilespmem:v21+s4+$0x0], $0xffff;
	v29 =	vadd.s32 $0x4E20, v17;
	[tilespmem:$0x1F9A0] =	vst v62  }
0x35b: {  	v46 =	vld.idx.msk [tilespmem:v20+s4+$0x0], $0xffff;
	v35 =	vadd.s32 $0x4E20, v39;
	[tilespmem:$0x1F9B0] =	vst v29  }
0x35c: {  	v44 =	vld.idx.msk [tilespmem:v19+s4+$0x0], $0xffff;
	v62 =	vadd.s32 $0x4E20, v6;
	[tilespmem:$0x1FA40] =	vst v35  }
0x35d: {  	v2 =	vadd.s32 $0x4E20, v10;
	v47 =	vld.idx.msk [tilespmem:v18+s4+$0x0], $0xffff;
	v29 =	vadd.s32 $0x4E20, v5;
	[tilespmem:$0x1FA00] =	vst v62  }
0x35e: {  	v54 =	vadd.s32 $0x2710, v8;
	v35 =	vld.idx.msk [tilespmem:v8+s4+$0x0], $0xffff;
	v8 =	vadd.s32 $0x7530, v8;
	[tilespmem:$0x1FA10] =	vst v29  }
0x35f: {  	v52 =	vadd.s32 $0x2710, v6;
	v30 =	vld.idx.msk [tilespmem:v6+s4+$0x0], $0xffff;
	v6 =	vadd.s32 $0x7530, v6;
	[tilespmem:$0x1FBC0] =	vst v8  }
0x360: {  	v28 =	vld.idx.msk [tilespmem:v1+s4+$0x0], $0xffff;
	v62 =	vadd.s32 $0x4E20, v38;
	[tilespmem:$0x1FBE0] =	vst v6  }
0x361: {  	v45 =	vld.idx.msk [tilespmem:v17+s4+$0x0], $0xffff;
	v29 =	vadd.s32 $0x4E20, v33;
	[tilespmem:$0x1FA50] =	vst v62  }
0x362: {  	v3 =	vld.idx.msk [tilespmem:v2+s4+$0x0], $0xffff;
	v62 =	vadd.s32 $0x4E20, v37;
	[tilespmem:$0x1FA90] =	vst v29  }
0x363: {  	v2 =	vld [tilespmem:s14+$0xFFFFFF80];
	v29 =	vadd.s32 $0x4E20, v27;
	[tilespmem:$0x1FA60] =	vst v62  }
0x364: {  	v43 =	vld.idx.msk [tilespmem:v22+s4+$0x0], $0xffff;
	v62 =	vadd.s32 $0x4E20, v36;
	[tilespmem:$0x1FAB0] =	vst v29  }
0x365: {  	v50 =	vadd.s32 $0x2710, v4;
	v29 =	vld.idx.msk [tilespmem:v4+s4+$0x0], $0xffff;
	v4 =	vadd.s32 $0x7530, v4;
	[tilespmem:$0x1FA70] =	vst v62  }
0x366: {  	v0 =	vadd.s32 $0x4E20, v12;
	v11 =	vld [tilespmem:s14+$0xFFFFFE30];
	v62 =	vadd.s32 $0x4E20, v34;
	[tilespmem:$0x1FBF0] =	vst v4  }
0x367: {  	v41 =	vld.idx.msk [tilespmem:v9+s4+$0x0], $0xffff;
	[tilespmem:$0x1FA80] =	vst v62;
	v62 =	vadd.s32 $0x4E20, v32  }
0x368: {  	v10 =	vadd.s32 $0x7530, v10;
	v7 =	vld [tilespmem:s14+$0xFFFFFA40];
	v2 =	vadd.f32 v2, v3;
	[tilespmem:$0x1FAA0] =	vst v62;
	v62 =	vadd.s32 $0x4E20, v26  }
0x369: {  	v4 =	vld [tilespmem:s14+$0xFFFFFA50];
	[tilespmem:$0x1FAC0] =	vst v62;
	v62 =	vadd.s32 $0x4E20, v25  }
0x36a: {  	v8 =	vld [tilespmem:s14+$0xFFFFFA30];
	v2 =	vmax.f32 v2, $0.0e+00;
	[tilespmem:$0x1FAD0] =	vst v62  }
0x36b: {  	v62 =	vadd.s32 $0x4E20, v24;
	[tilespmem:v0+s8+$0x0] =	vst.idx.add.f32.msk $0xffff, v2  }
0x36c: {  	v2 =	vld [tilespmem:s14+$0xFFFFFA10];
	[tilespmem:$0x1FAE0] =	vst v62;
	v62 =	vadd.s32 $0x4E20, v16  }
0x36d: {  	v0 =	vld.idx.msk [tilespmem:v10+s4+$0x0], $0xffff;
	v10 =	vadd.s32 $0x7530, v21;
	[tilespmem:$0x1FAF0] =	vst v62  }
0x36e: {  	v3 =	vld.idx.msk [tilespmem:v5+s4+$0x0], $0xffff;
	v4 =	vadd.f32 v4, v46;
	v62 =	vadd.s32 $0x4E20, v15;
	[tilespmem:$0x1FB50] =	vst v10  }
0x36f: {  	v10 =	vld [tilespmem:s14+$0xFFFFFE20];
	[tilespmem:$0x1FB00] =	vst v62;
	v62 =	vadd.s32 $0x7530, v1  }
0x370: {  	v49 =	vadd.s32 $0x2710, v1;
	v60 =	vadd.s32 $0x4E20, v1;
	v1 =	vld [tilespmem:s14+$0x0];
	v4 =	vmax.f32 v4, $0.0e+00;
	[tilespmem:$0x1FB20] =	vst v62  }
0x371: {  	v61 =	vadd.s32 $0x2710, v19;
	v62 =	vadd.s32 $0x7530, v23;
	[tilespmem:v36+s8+$0x0] =	vst.idx.add.f32.msk $0xffff, v4  }
0x372: {  	v8 =	vadd.f32 v8, v43;
	v23 =	vadd.s32 $0x4E20, v14;
	[tilespmem:$0x1FB30] =	vst v62;
	v28 =	vadd.f32 v2, v28;
	v2 =	vld [tilespmem:s14+$0xFFFFFA60]  }
0x373: {  	v59 =	vadd.s32 $0x2710, v18;
	[tilespmem:$0x1FB10] =	vst v23;
	v62 =	vadd.s32 $0x7530, v22;
	v22 =	vadd.s32 $0x7530, v19;
	v19 =	vld [tilespmem:s14+$0xFFFFFA80]  }
0x374: {  	v23 =	vadd.s32 $0x7530, v18;
	v18 =	vadd.f32 v7, v42;
	v7 =	vmax.f32 v8, $0.0e+00;
	v8 =	vld [tilespmem:s14+$0xFFFFFE10];
	[tilespmem:$0x1FB40] =	vst v62  }
0x375: {  	v58 =	vadd.s32 $0x2710, v17;
	[tilespmem:$0x1FB80] =	vst v23;
	v62 =	vadd.s32 $0x7530, v17;
	v17 =	vld [tilespmem:s14+$0xFFFFFA20]  }
0x376: {  	v51 =	vadd.s32 $0x2710, v5;
	[tilespmem:v38+s8+$0x0] =	vst.idx.add.f32.msk $0xffff, v7  }
0x377: {  	v6 =	vadd.s32 $0x7530, v12;
	[tilespmem:$0x1FB90] =	vst v62;
	v62 =	vadd.s32 $0x7530, v5;
	v5 =	vmax.f32 v18, $0.0e+00;
	v18 =	vld [tilespmem:s14+$0xFFFFFE60]  }
0x378: {  	v0 =	vadd.f32 v1, v0;
	v1 =	vmax.f32 v28, $0.0e+00;
	[tilespmem:v37+s8+$0x0] =	vst.idx.add.f32.msk $0xffff, v5  }
0x379: {  	v23 =	vadd.s32 $0x7530, v39;
	[tilespmem:v13+s8+$0x0] =	vst.idx.add.f32.msk $0xffff, v1  }
0x37a: {  	[tilespmem:$0x1FC10] =	vst v23;
	v23 =	vadd.s32 $0x7530, v37;
	v37 =	vld [tilespmem:s14+$0xFFFFFA90]  }
0x37b: {  	v0 =	vmax.f32 v0, $0.0e+00;
	v12 =	vadd.f32 v17, v48;
	v17 =	vld [tilespmem:s14+$0xFFFFFA70]  }
0x37c: {  	v63 =	vadd.s32 $0x2710, v20;
	v2 =	vadd.f32 v2, v44;
	[tilespmem:v6+s8+$0x0] =	vst.idx.add.f32.msk $0xffff, v0  }
0x37d: {  	v8 =	vadd.f32 v8, v40;
	v6 =	vadd.f32 v19, v45;
	v19 =	vld [tilespmem:s14+$0xFFFFFE70]  }
0x37e: {  	v2 =	vmax.f32 v2, $0.0e+00;
	v0 =	vmax.f32 v12, $0.0e+00;
	v12 =	vld [tilespmem:s14+$0xFFFFFE40]  }
0x37f: {  	v1 =	vmax.f32 v8, $0.0e+00;
	[tilespmem:v34+s8+$0x0] =	vst.idx.add.f32.msk $0xffff, v2  }
0x380: {  	[tilespmem:v27+s8+$0x0] =	vst.idx.add.f32.msk $0xffff, v1  }
0x381: {  	v43 =	vadd.s32 $0x7530, v27;
	v27 =	vld.idx.msk [tilespmem:v63+s4+$0x0], $0xffff  }
0x382: {  	[tilespmem:$0x1FB70] =	vst v22;
	v63 =	vld [tilespmem:$0x1F870]  }
0x383: {  	v10 =	vadd.f32 v10, v41;
	v6 =	vmax.f32 v6, $0.0e+00;
	[tilespmem:v39+s8+$0x0] =	vst.idx.add.f32.msk $0xffff, v0  }
0x384: {  	v22 =	vadd.s32 $0x7530, v13;
	v13 =	vadd.f32 v11, v35;
	[tilespmem:v32+s8+$0x0] =	vst.idx.add.f32.msk $0xffff, v6  }
0x385: {  	v42 =	vadd.s32 $0x7530, v32;
	v3 =	vadd.f32 v18, v3;
	v0 =	vmax.f32 v10, $0.0e+00;
	v32 =	vld.idx.msk [tilespmem:v56+s4+$0x0], $0xffff  }
0x386: {  	v39 =	vmax.f32 v13, $0.0e+00;
	[tilespmem:v26+s8+$0x0] =	vst.idx.add.f32.msk $0xffff, v0  }
0x387: {  	v18 =	vmax.f32 v3, $0.0e+00;
	[tilespmem:v25+s8+$0x0] =	vst.idx.add.f32.msk $0xffff, v39  }
0x388: {  	[tilespmem:v15+s8+$0x0] =	vst.idx.add.f32.msk $0xffff, v18  }
0x389: {  	v0 =	vld.idx.msk [tilespmem:v49+s4+$0x0], $0xffff  }
0x38a: {  	v55 =	vadd.s32 $0x2710, v25;
	v46 =	vadd.s32 $0x7530, v25;
	v25 =	vld [tilespmem:$0x1F850]  }
0x38b: {  	v44 =	vadd.s32 $0x7530, v26;
	v26 =	vld [tilespmem:$0x1F860]  }
0x38c: {  	[tilespmem:$0x1FC00] =	vst v22;
	v22 =	vadd.s32 $0x7530, v38;
	v38 =	vld [tilespmem:s14+$0xFFFFFAA0]  }
0x38d: {  	v39 =	vld [tilespmem:s14+$0xFFFFFAB0]  }
0x38e: {  	v49 =	vld [tilespmem:s14+$0xFFFFFAD0]  }
0x38f: {  	v45 =	vadd.s32 $0x7530, v15;
	v15 =	vld [tilespmem:$0x1F970]  }
0x390: {  	v57 =	vadd.s32 $0x2710, v9;
	v9 =	vadd.s32 $0x7530, v9;
	v18 =	vld [tilespmem:$0x1F9A0]  }
0x391: {  	[tilespmem:$0x1FBB0] =	vst v9;
	v21 =	vadd.s32 $0x7530, v20;
	v9 =	vadd.f32 v17, v47;
	v17 =	vld [tilespmem:s14+$0xFFFFFE50]  }
0x392: {  	[tilespmem:$0x1FB60] =	vst v21;
	v21 =	vadd.s32 $0x7530, v34;
	v34 =	vld.idx.msk [tilespmem:v54+s4+$0x0], $0xffff  }
0x393: {  	v54 =	vld [tilespmem:s14+$0xFFFFFEA0]  }
0x394: {  	v56 =	vld [tilespmem:s14+$0xFFFFFEB0]  }
0x395: {  	v9 =	vmax.f32 v9, $0.0e+00;
	v35 =	vadd.f32 v12, v31;
	v31 =	vld.idx.msk [tilespmem:v58+s4+$0x0], $0xffff  }
0x396: {  	[tilespmem:v33+s8+$0x0] =	vst.idx.add.f32.msk $0xffff, v9  }
0x397: {  	v28 =	vadd.s32 $0x7530, v33;
	v33 =	vld.idx.msk [tilespmem:v57+s4+$0x0], $0xffff  }
0x398: {  	v12 =	vmax.f32 v35, $0.0e+00;
	v4 =	vadd.f32 v49, v27;
	v49 =	vld [tilespmem:$0x1F8C0]  }
0x399: {  	[tilespmem:v24+s8+$0x0] =	vst.idx.add.f32.msk $0xffff, v12  }
0x39a: {  	v48 =	vadd.s32 $0x7530, v24;
	v24 =	vld [tilespmem:$0x1F840]  }
0x39b: {  	v41 =	vadd.f32 v17, v30;
	v17 =	vadd.f32 v19, v29;
	v29 =	vld.idx.msk [tilespmem:v61+s4+$0x0], $0xffff  }
0x39c: {  	v30 =	vld.idx.msk [tilespmem:v59+s4+$0x0], $0xffff  }
0x39d: {  	v59 =	vld [tilespmem:s14+$0xFFFFFEE0]  }
0x39e: {  	v27 =	vadd.f32 v56, v34;
	v56 =	vld [tilespmem:$0x1F900]  }
0x39f: {  	v35 =	vld.idx.msk [tilespmem:v53+s4+$0x0], $0xffff  }
0x3a0: {  	v53 =	vld [tilespmem:s14+$0xFFFFFE90]  }
0x3a1: {  	v57 =	vld [tilespmem:s14+$0xFFFFFEC0]  }
0x3a2: {  	v0 =	vadd.f32 v37, v0;
	v2 =	vld.idx.msk [tilespmem:v25+s4+$0x0], $0xffff  }
0x3a3: {  	v3 =	vld.idx.msk [tilespmem:v26+s4+$0x0], $0xffff  }
0x3a4: {  	v0 =	vmax.f32 v0, $0.0e+00;
	v13 =	vmax.f32 v41, $0.0e+00;
	v41 =	vld [tilespmem:s14+$0xFFFFFAC0]  }
0x3a5: {  	[tilespmem:v63+s8+$0x0] =	vst.idx.add.f32.msk $0xffff, v0  }
0x3a6: {  	v19 =	vmax.f32 v17, $0.0e+00;
	v17 =	vld [tilespmem:$0x1F990]  }
0x3a7: {  	v25 =	vld [tilespmem:$0x1F9D0]  }
0x3a8: {  	[tilespmem:v16+s8+$0x0] =	vst.idx.add.f32.msk $0xffff, v13  }
0x3a9: {  	[tilespmem:v14+s8+$0x0] =	vst.idx.add.f32.msk $0xffff, v19  }
0x3aa: {  	v13 =	vld.idx.msk [tilespmem:v51+s4+$0x0], $0xffff  }
0x3ab: {  	v51 =	vld [tilespmem:s14+$0xFFFFFAF0]  }
0x3ac: {  	v9 =	vadd.f32 v54, v33;
	v54 =	vld [tilespmem:$0x1F8F0]  }
0x3ad: {  	v63 =	vld.idx.msk [tilespmem:v60+s4+$0x0], $0xffff  }
0x3ae: {  	v47 =	vadd.s32 $0x7530, v16;
	v16 =	vld [tilespmem:$0x1F980]  }
0x3af: {  	v19 =	vld [tilespmem:$0x1F9B0]  }
0x3b0: {  	v33 =	vmax.f32 v27, $0.0e+00;
	v27 =	vld [tilespmem:$0x1F9F0]  }
0x3b1: {  	v20 =	vadd.s32 $0x7530, v36;
	v36 =	vld.idx.msk [tilespmem:v52+s4+$0x0], $0xffff  }
0x3b2: {  	v40 =	vadd.s32 $0x7530, v14;
	v14 =	vld.idx.msk [tilespmem:v50+s4+$0x0], $0xffff  }
0x3b3: {  	v50 =	vld [tilespmem:s14+$0xFFFFFAE0]  }
0x3b4: {  	v52 =	vld [tilespmem:s14+$0xFFFFFB00]  }
0x3b5: {  	v58 =	vld [tilespmem:s14+$0xFFFFFED0]  }
0x3b6: {  	v61 =	vld [tilespmem:s14+$0xFFFFFEF0]  }
0x3b7: {  	[tilespmem:v55+s8+$0x0] =	vst.idx.add.f32.msk $0xffff, v33  }
0x3b8: {  	v55 =	vld [tilespmem:$0x1FA30]  }
0x3b9: {  	v8 =	vadd.f32 v53, v32;
	v32 =	vld [tilespmem:$0x1F890]  }
0x3ba: {  	v53 =	vld [tilespmem:$0x1F8E0]  }
0x3bb: {  	v1 =	vld.idx.msk [tilespmem:v24+s4+$0x0], $0xffff  }
0x3bc: {  	v6 =	vadd.f32 v51, v30;
	v51 =	vld [tilespmem:$0x1F8D0]  }
0x3bd: {  	v37 =	vadd.f32 v59, v13;
	v59 =	vld [tilespmem:$0x1F930]  }
0x3be: {  	v13 =	vld [tilespmem:$0x1F950]  }
0x3bf: {  	v24 =	vld [tilespmem:$0x1F9C0]  }
0x3c0: {  	v5 =	vadd.f32 v50, v29;
	v29 =	vld [tilespmem:$0x1F880]  }
0x3c1: {  	v30 =	vmax.f32 v9, $0.0e+00;
	v7 =	vadd.f32 v52, v31;
	v31 =	vadd.f32 v57, v35;
	v35 =	vld [tilespmem:$0x1F8A0]  }
0x3c2: {  	[tilespmem:v56+s8+$0x0] =	vst.idx.add.f32.msk $0xffff, v30  }
0x3c3: {  	v57 =	vld [tilespmem:$0x1F910]  }
0x3c4: {  	v34 =	vadd.f32 v58, v36;
	v58 =	vld [tilespmem:$0x1F920]  }
0x3c5: {  	v3 =	vadd.f32 v41, v3;
	v41 =	vadd.f32 v61, v14;
	v61 =	vld [tilespmem:$0x1F940]  }
0x3c6: {  	v14 =	vld [tilespmem:$0x1F960]  }
0x3c7: {  	v30 =	vld [tilespmem:$0x1FA10]  }
0x3c8: {  	v9 =	vld.idx.msk [tilespmem:v25+s4+$0x0], $0xffff  }
0x3c9: {  	v26 =	vmax.f32 v8, $0.0e+00;
	v25 =	vld [tilespmem:$0x1FA70]  }
0x3ca: {  	[tilespmem:v54+s8+$0x0] =	vst.idx.add.f32.msk $0xffff, v26  }
0x3cb: {  	v26 =	vld [tilespmem:$0x1F9E0]  }
0x3cc: {  	v5 =	vmax.f32 v5, $0.0e+00;
	v36 =	vmax.f32 v31, $0.0e+00;
	v31 =	vld [tilespmem:$0x1FA20]  }
0x3cd: {  	[tilespmem:v49+s8+$0x0] =	vst.idx.add.f32.msk $0xffff, v5  }
0x3ce: {  	v52 =	vmax.f32 v41, $0.0e+00;
	v41 =	vld [tilespmem:s14+$0xFFFFFF10]  }
0x3cf: {  	v49 =	vld [tilespmem:s14+$0xFFFFFF20]  }
0x3d0: {  	v2 =	vadd.f32 v39, v2;
	v1 =	vadd.f32 v38, v1;
	v38 =	vld [tilespmem:$0x1F8B0]  }
0x3d1: {  	v5 =	vld.idx.msk [tilespmem:v17+s4+$0x0], $0xffff  }
0x3d2: {  	v2 =	vmax.f32 v2, $0.0e+00;
	v50 =	vmax.f32 v37, $0.0e+00;
	v37 =	vld [tilespmem:s14+$0xFFFFFB60]  }
0x3d3: {  	v7 =	vmax.f32 v7, $0.0e+00;
	[tilespmem:v32+s8+$0x0] =	vst.idx.add.f32.msk $0xffff, v2  }
0x3d4: {  	[tilespmem:v53+s8+$0x0] =	vst.idx.add.f32.msk $0xffff, v7  }
0x3d5: {  	v32 =	vld [tilespmem:s14+$0xFFFFFB10]  }
0x3d6: {  	v7 =	vld.idx.msk [tilespmem:v19+s4+$0x0], $0xffff  }
0x3d7: {  	v6 =	vmax.f32 v6, $0.0e+00;
	v39 =	vmax.f32 v34, $0.0e+00;
	v34 =	vld [tilespmem:s14+$0xFFFFFB30]  }
0x3d8: {  	[tilespmem:v51+s8+$0x0] =	vst.idx.add.f32.msk $0xffff, v6  }
0x3d9: {  	[tilespmem:v59+s8+$0x0] =	vst.idx.add.f32.msk $0xffff, v50  }
0x3da: {  	v8 =	vld.idx.msk [tilespmem:v24+s4+$0x0], $0xffff  }
0x3db: {  	v1 =	vmax.f32 v1, $0.0e+00;
	v50 =	vld [tilespmem:s14+$0xFFFFFF30]  }
0x3dc: {  	v3 =	vmax.f32 v3, $0.0e+00;
	[tilespmem:v29+s8+$0x0] =	vst.idx.add.f32.msk $0xffff, v1  }
0x3dd: {  	[tilespmem:v35+s8+$0x0] =	vst.idx.add.f32.msk $0xffff, v3  }
0x3de: {  	[tilespmem:v57+s8+$0x0] =	vst.idx.add.f32.msk $0xffff, v36  }
0x3df: {  	[tilespmem:v58+s8+$0x0] =	vst.idx.add.f32.msk $0xffff, v39  }
0x3e0: {  	[tilespmem:v61+s8+$0x0] =	vst.idx.add.f32.msk $0xffff, v52  }
0x3e1: {  	v2 =	vld.idx.msk [tilespmem:v14+s4+$0x0], $0xffff  }
0x3e2: {  	v6 =	vld.idx.msk [tilespmem:v18+s4+$0x0], $0xffff  }
0x3e3: {  	v29 =	vld [tilespmem:$0x1FA00]  }
0x3e4: {  	v39 =	vld [tilespmem:s14+$0xFFFFFB80]  }
0x3e5: {  	v53 =	vld [tilespmem:s14+$0xFFFFFF60]  }
0x3e6: {  	v58 =	vld [tilespmem:$0x1FA40]  }
0x3e7: {  	v61 =	vld [tilespmem:$0x1FA50]  }
0x3e8: {  	v9 =	vadd.f32 v49, v9;
	v49 =	vld [tilespmem:$0x1FB20]  }
0x3e9: {  	v1 =	vld.idx.msk [tilespmem:v13+s4+$0x0], $0xffff  }
0x3ea: {  	v3 =	vld.idx.msk [tilespmem:v15+s4+$0x0], $0xffff  }
0x3eb: {  	v11 =	vld.idx.msk [tilespmem:v27+s4+$0x0], $0xffff  }
0x3ec: {  	v13 =	vld.idx.msk [tilespmem:v30+s4+$0x0], $0xffff  }
0x3ed: {  	v33 =	vld [tilespmem:s14+$0xFFFFFB20]  }
0x3ee: {  	v35 =	vld [tilespmem:s14+$0xFFFFFB40]  }
0x3ef: {  	v51 =	vld [tilespmem:s14+$0xFFFFFF40]  }
0x3f0: {  	v52 =	vld [tilespmem:s14+$0xFFFFFF50]  }
0x3f1: {  	v54 =	vld [tilespmem:s14+$0xFFFFFF70]  }
0x3f2: {  	v5 =	vadd.f32 v37, v5;
	v37 =	vld [tilespmem:$0x1FAE0]  }
0x3f3: {  	v10 =	vld.idx.msk [tilespmem:v26+s4+$0x0], $0xffff  }
0x3f4: {  	v14 =	vld.idx.msk [tilespmem:v31+s4+$0x0], $0xffff  }
0x3f5: {  	v4 =	vmax.f32 v4, $0.0e+00;
	v31 =	vld [tilespmem:$0x1FA90]  }
0x3f6: {  	[tilespmem:v38+s8+$0x0] =	vst.idx.add.f32.msk $0xffff, v4  }
0x3f7: {  	v38 =	vld [tilespmem:s14+$0xFFFFFB70]  }
0x3f8: {  	v0 =	vadd.f32 v32, v63;
	v8 =	vadd.f32 v41, v8;
	v41 =	vld [tilespmem:$0x1FB10]  }
0x3f9: {  	v4 =	vld.idx.msk [tilespmem:v16+s4+$0x0], $0xffff  }
0x3fa: {  	v0 =	vmax.f32 v0, $0.0e+00;
	v36 =	vld [tilespmem:s14+$0xFFFFFB50]  }
0x3fb: {  	[tilespmem:v55+s8+$0x0] =	vst.idx.add.f32.msk $0xffff, v0  }
0x3fc: {  	v16 =	vld [tilespmem:$0x1FA60]  }
0x3fd: {  	v2 =	vadd.f32 v34, v2;
	v34 =	vld [tilespmem:$0x1FAB0]  }
0x3fe: {  	v7 =	vadd.f32 v39, v7;
	v39 =	vld [tilespmem:$0x1FB00]  }
0x3ff: {  	v55 =	vld [tilespmem:$0x1FB80]  }
0x400: {  	v1 =	vadd.f32 v33, v1;
	v33 =	vld [tilespmem:$0x1FAA0]  }
0x401: {  	v3 =	vadd.f32 v35, v3;
	v35 =	vld [tilespmem:$0x1FAC0]  }
0x402: {  	v60 =	vadd.f32 v51, v11;
	v51 =	vld [tilespmem:$0x1FB40]  }
0x403: {  	v24 =	vadd.f32 v53, v13;
	v53 =	vld [tilespmem:$0x1FB60]  }
0x404: {  	v57 =	vadd.f32 v50, v10;
	v50 =	vld [tilespmem:$0x1FB30]  }
0x405: {  	v27 =	vadd.f32 v54, v14;
	v54 =	vld [tilespmem:$0x1FB70]  }
0x406: {  	v2 =	vmax.f32 v2, $0.0e+00;
	v12 =	vld.idx.msk [tilespmem:v29+s4+$0x0], $0xffff  }
0x407: {  	[tilespmem:v61+s8+$0x0] =	vst.idx.add.f32.msk $0xffff, v2  }
0x408: {  	v29 =	vld [tilespmem:$0x1FA80]  }
0x409: {  	v0 =	vld.idx.msk [tilespmem:v49+s4+$0x0], $0xffff  }
0x40a: {  	v17 =	vmax.f32 v60, $0.0e+00;
	v60 =	vld [tilespmem:$0x1FBD0]  }
0x40b: {  	v1 =	vmax.f32 v1, $0.0e+00;
	v61 =	vld [tilespmem:$0x1FBE0]  }
0x40c: {  	[tilespmem:v58+s8+$0x0] =	vst.idx.add.f32.msk $0xffff, v1  }
0x40d: {  	[tilespmem:v37+s8+$0x0] =	vst.idx.add.f32.msk $0xffff, v17  }
0x40e: {  	v6 =	vadd.f32 v38, v6;
	v38 =	vld [tilespmem:$0x1FAF0]  }
0x40f: {  	v63 =	vmax.f32 v57, $0.0e+00;
	v57 =	vld [tilespmem:$0x1FBA0]  }
0x410: {  	v58 =	vld [tilespmem:$0x1FBB0]  }
0x411: {  	v4 =	vadd.f32 v36, v4;
	v36 =	vld [tilespmem:$0x1FAD0]  }
0x412: {  	v32 =	vmax.f32 v27, $0.0e+00;
	v27 =	vld [tilespmem:s14+$0xFFFFFBA0];
	v6 =	vmax.f32 v6, $0.0e+00  }
0x413: {  	[tilespmem:v31+s8+$0x0] =	vst.idx.add.f32.msk $0xffff, v6  }
0x414: {  	v3 =	vmax.f32 v3, $0.0e+00;
	[tilespmem:v41+s8+$0x0] =	vst.idx.add.f32.msk $0xffff, v32  }
0x415: {  	v4 =	vmax.f32 v4, $0.0e+00;
	[tilespmem:v16+s8+$0x0] =	vst.idx.add.f32.msk $0xffff, v3  }
0x416: {  	v56 =	vmax.f32 v8, $0.0e+00;
	[tilespmem:v25+s8+$0x0] =	vst.idx.add.f32.msk $0xffff, v4  }
0x417: {  	v30 =	vmax.f32 v24, $0.0e+00;
	[tilespmem:v34+s8+$0x0] =	vst.idx.add.f32.msk $0xffff, v56  }
0x418: {  	[tilespmem:v39+s8+$0x0] =	vst.idx.add.f32.msk $0xffff, v30  }
0x419: {  	v15 =	vadd.f32 v52, v12;
	v52 =	vld [tilespmem:$0x1FB50]  }
0x41a: {  	v6 =	vld.idx.msk [tilespmem:v55+s4+$0x0], $0xffff  }
0x41b: {  	v56 =	vld [tilespmem:$0x1FB90]  }
0x41c: {  	v25 =	vld [tilespmem:$0x1FBF0]  }
0x41d: {  	v7 =	vmax.f32 v7, $0.0e+00;
	v49 =	vld [tilespmem:s14+$0xFFFFFFF0]  }
0x41e: {  	v59 =	vmax.f32 v9, $0.0e+00;
	[tilespmem:v33+s8+$0x0] =	vst.idx.add.f32.msk $0xffff, v7  }
0x41f: {  	[tilespmem:v35+s8+$0x0] =	vst.idx.add.f32.msk $0xffff, v59  }
0x420: {  	v2 =	vld.idx.msk [tilespmem:v51+s4+$0x0], $0xffff  }
0x421: {  	v4 =	vld.idx.msk [tilespmem:v53+s4+$0x0], $0xffff  }
0x422: {  	v59 =	vld [tilespmem:$0x1FBC0]  }
0x423: {  	v30 =	vld [tilespmem:s14+$0xFFFFFBC0]  }
0x424: {  	v31 =	vld [tilespmem:s14+$0xFFFFFBD0]  }
0x425: {  	v33 =	vld [tilespmem:s14+$0xFFFFFBF0]  }
0x426: {  	v35 =	vld [tilespmem:s14+$0xFFFFFF90]  }
0x427: {  	v41 =	vld [tilespmem:s14+$0xFFFFFFE0]  }
0x428: {  	v53 =	vld [tilespmem:$0x1FC10]  }
0x429: {  	v1 =	vld.idx.msk [tilespmem:v50+s4+$0x0], $0xffff  }
0x42a: {  	v34 =	vld [tilespmem:s14+$0xFFFFFC00]  }
0x42b: {  	v5 =	vmax.f32 v5, $0.0e+00;
	v50 =	vld [tilespmem:$0x1FC00]  }
0x42c: {  	[tilespmem:v29+s8+$0x0] =	vst.idx.add.f32.msk $0xffff, v5  }
0x42d: {  	v11 =	vld.idx.msk [tilespmem:v60+s4+$0x0], $0xffff  }
0x42e: {  	v26 =	vmax.f32 v15, $0.0e+00;
	v29 =	vld [tilespmem:s14+$0xFFFFFBB0]  }
0x42f: {  	[tilespmem:v38+s8+$0x0] =	vst.idx.add.f32.msk $0xffff, v26  }
0x430: {  	v5 =	vld.idx.msk [tilespmem:v54+s4+$0x0], $0xffff  }
0x431: {  	v8 =	vld.idx.msk [tilespmem:v57+s4+$0x0], $0xffff  }
0x432: {  	v9 =	vld.idx.msk [tilespmem:v58+s4+$0x0], $0xffff  }
0x433: {  	v26 =	vld [tilespmem:s14+$0xFFFFFB90]  }
0x434: {  	v32 =	vld [tilespmem:s14+$0xFFFFFBE0]  }
0x435: {  	v38 =	vld [tilespmem:s14+$0xFFFFFFC0]  }
0x436: {  	[tilespmem:v36+s8+$0x0] =	vst.idx.add.f32.msk $0xffff, v63  }
0x437: {  	v12 =	vld.idx.msk [tilespmem:v61+s4+$0x0], $0xffff  }
0x438: {  	v63 =	vld.idx.msk [tilespmem:v62+s4+$0x0], $0xffff  }
0x439: {  	v36 =	vld [tilespmem:s14+$0xFFFFFFA0]  }
0x43a: {  	v39 =	vld [tilespmem:s14+$0xFFFFFFD0]  }
0x43b: {  	v37 =	vld [tilespmem:s14+$0xFFFFFFB0]  }
0x43c: {  	v3 =	vld.idx.msk [tilespmem:v52+s4+$0x0], $0xffff  }
0x43d: {  	v4 =	vadd.f32 v31, v4;
	v7 =	vld.idx.msk [tilespmem:v56+s4+$0x0], $0xffff  }
0x43e: {  	v6 =	vadd.f32 v33, v6;
	v14 =	vld.idx.msk [tilespmem:v25+s4+$0x0], $0xffff  }
0x43f: {  	v1 =	vadd.f32 v27, v1;
	v4 =	vmax.f32 v4, $0.0e+00;
	v10 =	vld.idx.msk [tilespmem:v59+s4+$0x0], $0xffff  }
0x440: {  	v2 =	vadd.f32 v29, v2;
	v6 =	vmax.f32 v6, $0.0e+00;
	[tilespmem:v20+s8+$0x0] =	vst.idx.add.f32.msk $0xffff, v4  }
0x441: {  	v0 =	vadd.f32 v26, v0;
	v1 =	vmax.f32 v1, $0.0e+00;
	[tilespmem:v28+s8+$0x0] =	vst.idx.add.f32.msk $0xffff, v6  }
0x442: {  	v5 =	vadd.f32 v32, v5;
	v2 =	vmax.f32 v2, $0.0e+00;
	[tilespmem:v53+s8+$0x0] =	vst.idx.add.f32.msk $0xffff, v1  }
0x443: {  	v8 =	vadd.f32 v35, v8;
	v0 =	vmax.f32 v0, $0.0e+00;
	[tilespmem:v22+s8+$0x0] =	vst.idx.add.f32.msk $0xffff, v2  }
0x444: {  	v55 =	vadd.f32 v38, v11;
	v5 =	vmax.f32 v5, $0.0e+00;
	[tilespmem:v50+s8+$0x0] =	vst.idx.add.f32.msk $0xffff, v0  }
0x445: {  	v9 =	vadd.f32 v36, v9;
	v51 =	vmax.f32 v8, $0.0e+00;
	[tilespmem:v21+s8+$0x0] =	vst.idx.add.f32.msk $0xffff, v5  }
0x446: {  	v57 =	vadd.f32 v39, v12;
	v58 =	vmax.f32 v55, $0.0e+00;
	[tilespmem:v43+s8+$0x0] =	vst.idx.add.f32.msk $0xffff, v51  }
0x447: {  	v59 =	vadd.f32 v41, v63;
	v54 =	vmax.f32 v9, $0.0e+00;
	[tilespmem:v48+s8+$0x0] =	vst.idx.add.f32.msk $0xffff, v58  }
0x448: {  	s12 =	sadd.s32 $0x10, s12;
	v60 =	vmax.f32 v57, $0.0e+00;
	v3 =	vadd.f32 v30, v3;
	[tilespmem:v44+s8+$0x0] =	vst.idx.add.f32.msk $0xffff, v54  }
0x449: {  	p0 =	slt.u32 s12, $0x40;
	v62 =	vmax.f32 v59, $0.0e+00;
	v7 =	vadd.f32 v34, v7;
	[tilespmem:v47+s8+$0x0] =	vst.idx.add.f32.msk $0xffff, v60  }
.Ltmp2:
0x44a: {  	v61 =	vadd.f32 v49, v14;
	[tilespmem:v45+s8+$0x0] =	vst.idx.add.f32.msk $0xffff, v62;
	v3 =	vmax.f32 v3, $0.0e+00;
	(pc) =	sbr.rel @p0 .LBB2_7-.Ltmp2, $4  }
0x44b: {  	v52 =	vadd.f32 v37, v10;
	v7 =	vmax.f32 v7, $0.0e+00;
	[tilespmem:v23+s8+$0x0] =	vst.idx.add.f32.msk $0xffff, v3  }
0x44c: {  	v63 =	vmax.f32 v61, $0.0e+00;
	[tilespmem:v42+s8+$0x0] =	vst.idx.add.f32.msk $0xffff, v7  }
0x44d: {  	v56 =	vmax.f32 v52, $0.0e+00;
	[tilespmem:v40+s8+$0x0] =	vst.idx.add.f32.msk $0xffff, v63  }
0x44e: {  	s13 =	sadd.s32 $0x200, s13;
	[tilespmem:v46+s8+$0x0] =	vst.idx.add.f32.msk $0xffff, v56  }
0x44f: {  	s11 =	sadd.s32 $0x1, s11  }
0x450: {  	p0 =	sne.s32 s11, $0x7D  }
.Ltmp3:
0x451: {  	_ = 	snop;
	(pc) =	sbr.rel @p0 .LBB2_4-.Ltmp3, $1  }
0x452: {  	_ =	sdelay $0x3  }
0x453: {  	s11 =	rddreg [dreg:$0x7]  }
0x454: {  	[hbm4b:s11+s4] =	stream.linear.scatter [tilespmem:s8], [sflag:$0x3], $0x9C40, $0x38;
	[tilespmem:$0x19300] =	vst v63  }
0x455: {  	_ =	swait.ge [sflag:s22], $0x9C40  }
0x456: {  	s10 =	sadd.s32 $0x1, s10;
	s20 =	rddreg [dreg:$0x8]  }
0x457: {  	p0 =	sne.s32 s10, s20  }
.Ltmp4:
0x458: {  	_ = 	snop;
	(pc) =	sbr.rel @p0 .LBB2_1-.Ltmp4, $3  }
0x459: {  	_ =	sdelay $0x1  }
0x45a: {  	[sflag:s22] =	ssyncset.done $0x0  }
0x45b: {  	v0 =	vimm.f32 $0.0e+00;
	[sflag:s22] =	ssyncadd.s32 $0xFFFF63C0  }
0x45c: {  	_ =	sfence.sel $0x180000  }
0x45d: {  	[bflag:$0x0] =	sbarrier.arrive $0xFFFF  }
0x45e: {  	_ =	strace $0x90000047  }
0x45f: {  	s0 =	stileid.u32;
	[bflag:$0x2] =	sbarrier.arrive $0xFFFF  }
0x460: {  	p0 =	sne.s32 s0, $0x0;
	s0 =	rddreg [dreg:$0x4]  }
0x461: {  	s0 =	sadd.s32 @!p0 $0x100000, s0  }
0x462: {  	[sflag:s0] =	ssyncadd.tile.s32 @!p0 $0x1;
	_ =	shalt  }
.Lfunc_end2:
_tile_overlayer_lowered:
.L_overlay_start_2:
0x463: {  	(tag) =	ssettag $0x2  }
0x464: {  	s0 =	rddreg [dreg:$0x0];
	s2 =	stileid.u32  }
0x465: {  	s1 =	rddreg [dreg:$0x1];
	p0 =	sne.s32 s2, $0x0  }
0x466: {  	s3 =	rddreg [dreg:$0x2];
	[bflag:$0x3] =	sbarrier.arrive $0xFFFF;
	s2 =	simm.s32 @!p0 $0x1C03  }
0x467: {  	[timem:s3], [sflag:s2] =	dma.local @!p0 [hbm:s0], s1  }
0x468: {  	s0 =	simm.s32 @!p0 $0x3  }
0x469: {  	_ =	swait.ge @!p0 [sflag:s0], s1  }
0x46a: {  	s1 =	ssub.s32 @!p0 $0x0, s1;
	[sflag:s0] =	ssyncset.done @!p0 $0x0  }
0x46b: {  	[sflag:s0] =	ssyncadd.s32 @!p0 s1  }
0x46c: {  	[bflag:$0x3] =	sbarrier.arrive $0xFFFF  }
0x46d: {  	_ =	shalt  }

</sc_bundles>
